<compile_context>
chip_gen: v7x
topology: tpu7x:2x2x1
jax: 0.10.2.dev20260603
libtpu: 0.0.44.dev20260713+nightly
codegen_flags: <defaults>
</compile_context>

<pallas_src>
import functools

import jax
import jax.numpy as jnp
from jax import lax
from jax.experimental import pallas as pl
from jax.experimental.pallas import tpu as pltpu
from jax.experimental.pallas import tpu_sc as plsc

NE = 64
NK = 2
ND = 1024
NF = 1024
NT = 2048
NP = NT * NK
TILE = 128
NTILES = 96
CAP = NTILES * TILE
EPSV = 1e-20

NC, NS = 2, 16
NW = NC * NS
PPW = NP // NW
CHUNK = 32
NCHUNK = PPW // CHUNK


def _router_body(xf_ref, wg_ref, pos_ref, wts_ref, meta_ref):
    x = xf_ref[...]
    wg = wg_ref[...]
    logits = lax.dot_general(x, wg, (((1,), (1,)), ((), ())))
    mx = jnp.max(logits, axis=1, keepdims=True)
    ex = jnp.exp(logits - mx)
    scores = ex / jnp.sum(ex, axis=1, keepdims=True)

    io_r = lax.broadcasted_iota(jnp.int32, (NE, NE), 0)
    io_c = lax.broadcasted_iota(jnp.int32, (NE, NE), 1)
    triu_incl = (io_r <= io_c).astype(jnp.float32)

    def first_max_onehot(s):
        m = jnp.max(s, axis=1, keepdims=True)
        eq = (s == m).astype(jnp.float32)
        cum = lax.dot_general(eq, triu_incl, (((1,), (0,)), ((), ())))
        return jnp.where((eq > 0) & (cum == 1.0), 1.0, 0.0), m

    oh0, m0 = first_max_onehot(scores)
    oh1, m1 = first_max_onehot(jnp.where(oh0 > 0, -jnp.inf, scores))
    ssum = m0 + m1 + EPSV
    wts_ref[...] = jnp.concatenate([m0 / ssum, m1 / ssum], axis=1)

    counts_l = (jnp.sum(oh0, axis=0, keepdims=True)
                + jnp.sum(oh1, axis=0, keepdims=True))
    tiles_l = jnp.ceil(counts_l * (1.0 / TILE))
    triu_strict = (io_r < io_c).astype(jnp.float32)
    tile_off_l = lax.dot_general(tiles_l, triu_strict, (((1,), (0,)), ((), ())))
    row_off_l = tile_off_l * TILE

    BLK = 512
    tril_incl = (lax.broadcasted_iota(jnp.int32, (BLK, BLK), 1)
                 <= lax.broadcasted_iota(jnp.int32, (BLK, BLK), 0)
                 ).astype(jnp.float32)
    carry = jnp.zeros((1, NE), jnp.float32)
    for half, ohh in enumerate((oh0, oh1)):
        for b in range(NT // BLK):
            blk = lax.slice(ohh, (b * BLK, 0), (b * BLK + BLK, NE))
            incl = lax.dot_general(tril_incl, blk, (((1,), (0,)), ((), ())))
            csum = incl + carry
            posb = jnp.sum((csum - 1.0 + row_off_l) * blk, axis=1,
                           keepdims=True)
            base = (half * (NT // BLK) + b) * BLK
            pos_ref[base:base + BLK, :] = jnp.round(posb).astype(jnp.int32)
            carry = carry + jnp.sum(blk, axis=0, keepdims=True)

    ident = (io_r == io_c).astype(jnp.float32)

    def _t(v):
        return lax.dot_general(ident, v, (((1,), (1,)), ((), ())))

    tiles_s = _t(tiles_l)
    tile_off_s = _t(tile_off_l)
    jt = lax.broadcasted_iota(jnp.int32, (1, 128), 1).astype(jnp.float32)
    ind = (jt >= tile_off_s) & (jt < tile_off_s + tiles_s)
    e_s = lax.broadcasted_iota(jnp.int32, (NE, 1), 0).astype(jnp.float32)
    te = jnp.sum(jnp.where(ind, e_s, 0.0), axis=0, keepdims=True)
    act = jnp.sum(jnp.where(ind, 1.0, 0.0), axis=0, keepdims=True)
    ttot = jnp.sum(tiles_l)
    te_last = jnp.sum(jnp.where(jt == ttot - 1.0, te, 0.0), axis=1, keepdims=True)
    te_c = jnp.where(act > 0, te, te_last)
    jeff = jnp.minimum(jt, ttot - 1.0)
    meta_ref[0:1, :] = jnp.round(te_c).astype(jnp.int32)
    meta_ref[1:2, :] = jnp.round(act).astype(jnp.int32)
    meta_ref[2:3, :] = jnp.round(jeff).astype(jnp.int32)


def _router(xf, wg):
    return pl.pallas_call(
        _router_body,
        out_shape=[
            jax.ShapeDtypeStruct((NP, 1), jnp.int32),
            jax.ShapeDtypeStruct((NT, 2), jnp.float32),
            jax.ShapeDtypeStruct((3, 128), jnp.int32),
        ],
    )(xf, wg)


NBUF = 3

_SC_SCRATCH = lambda: [
    pltpu.VMEM((NCHUNK, CHUNK), jnp.int32),
    *[pltpu.VMEM((CHUNK, ND), jnp.float32) for _ in range(NBUF)],
    pltpu.SemaphoreType.DMA,
    pltpu.SemaphoreType.DMA,
]


@functools.cache
def _sc_mesh():
    return plsc.VectorSubcoreMesh(core_axis_name="c", subcore_axis_name="s")


@functools.cache
def _dispatch_kernel():
    @functools.partial(
        pl.kernel,
        mesh=_sc_mesh(),
        out_type=jax.ShapeDtypeStruct((CAP, ND), jnp.float32),
        scratch_types=_SC_SCRATCH(),
    )
    def _dispatch_body(xf_hbm, posw_hbm, xs_hbm, idx_v, buf0, buf1, buf2,
                       sem_in, sem_out):
        wid = lax.axis_index("s") * NC + lax.axis_index("c")
        base = wid * PPW
        src = lax.rem(base, NT)
        pltpu.sync_copy(posw_hbm.at[wid], idx_v)
        bufs = (buf0, buf1, buf2)

        def start_in(c):
            return pltpu.async_copy(
                xf_hbm.at[pl.ds(src + c * CHUNK, CHUNK)], bufs[c % NBUF],
                sem_in)

        h_in = [None] * NCHUNK
        h_out = [None] * NCHUNK
        for c in range(min(NBUF - 1, NCHUNK)):
            h_in[c] = start_in(c)
        for c in range(NCHUNK):
            if c + NBUF - 1 < NCHUNK:
                if c >= 1:
                    h_out[c - 1].wait()
                h_in[c + NBUF - 1] = start_in(c + NBUF - 1)
            h_in[c].wait()
            h_out[c] = pltpu.async_copy(bufs[c % NBUF],
                                        xs_hbm.at[idx_v.at[c]], sem_out)
        for c in range(max(0, NCHUNK - NBUF), NCHUNK):
            h_out[c].wait()

    return _dispatch_body


def _dispatch(xf, posw):
    return _dispatch_kernel()(xf, posw)


@functools.cache
def _combine_gather_kernel():
    @functools.partial(
        pl.kernel,
        mesh=_sc_mesh(),
        out_type=jax.ShapeDtypeStruct((NP, ND), jnp.float32),
        scratch_types=_SC_SCRATCH(),
    )
    def _gather_body(ys_hbm, posw_hbm, ysg_hbm, idx_v, buf0, buf1, buf2,
                     sem_in, sem_out):
        wid = lax.axis_index("s") * NC + lax.axis_index("c")
        base = wid * PPW
        pltpu.sync_copy(posw_hbm.at[wid], idx_v)
        bufs = (buf0, buf1, buf2)

        def start_in(c):
            return pltpu.async_copy(ys_hbm.at[idx_v.at[c]], bufs[c % NBUF],
                                    sem_in)

        h_in = [None] * NCHUNK
        h_out = [None] * NCHUNK
        for c in range(min(NBUF - 1, NCHUNK)):
            h_in[c] = start_in(c)
        for c in range(NCHUNK):
            if c + NBUF - 1 < NCHUNK:
                if c >= 1:
                    h_out[c - 1].wait()
                h_in[c + NBUF - 1] = start_in(c + NBUF - 1)
            h_in[c].wait()
            h_out[c] = pltpu.async_copy(
                bufs[c % NBUF], ysg_hbm.at[pl.ds(base + c * CHUNK, CHUNK)],
                sem_out)
        for c in range(max(0, NCHUNK - NBUF), NCHUNK):
            h_out[c].wait()

    return _gather_body


def _combine_gather(ys, posw):
    return _combine_gather_kernel()(ys, posw)


def _ffn_body(te_ref, act_ref, jeff_ref, xs_ref, w1a_ref, w1b_ref, b1_ref,
              w2a_ref, w2b_ref, b2_ref, ys_ref):
    j = pl.program_id(0)

    @pl.when(act_ref[j] == 1)
    def _():
        xt = xs_ref[...]
        dn = (((1,), (1,)), ((), ()))
        h = jnp.concatenate(
            [lax.dot_general(xt, w1a_ref[0, 0], dn),
             lax.dot_general(xt, w1b_ref[0, 0], dn)], axis=1)
        h = jax.nn.gelu(h + b1_ref[0])
        y = jnp.concatenate(
            [lax.dot_general(h, w2a_ref[0, 0], dn),
             lax.dot_general(h, w2b_ref[0, 0], dn)], axis=1)
        ys_ref[...] = y + b2_ref[0]


def _ffn(te, act, jeff, xs, w1, b1, w2, b2):
    wspec_a = pl.BlockSpec((1, 1, NF // 2, ND),
                           lambda j, te, act, jeff: (te[j], 0, 0, 0))
    wspec_b = pl.BlockSpec((1, 1, NF // 2, ND),
                           lambda j, te, act, jeff: (te[j], 1, 0, 0))
    grid_spec = pltpu.PrefetchScalarGridSpec(
        num_scalar_prefetch=3,
        grid=(NTILES,),
        in_specs=[
            pl.BlockSpec((TILE, ND), lambda j, te, act, jeff: (jeff[j], 0)),
            wspec_a,
            wspec_b,
            pl.BlockSpec((1, 1, NF), lambda j, te, act, jeff: (te[j], 0, 0)),
            wspec_a,
            wspec_b,
            pl.BlockSpec((1, 1, ND), lambda j, te, act, jeff: (te[j], 0, 0)),
        ],
        out_specs=pl.BlockSpec((TILE, ND), lambda j, te, act, jeff: (jeff[j], 0)),
    )
    w1r = w1.reshape(NE, 2, NF // 2, ND)
    w2r = w2.reshape(NE, 2, ND // 2, NF)
    return pl.pallas_call(
        _ffn_body,
        grid_spec=grid_spec,
        out_shape=jax.ShapeDtypeStruct((CAP, ND), jnp.float32),
    )(te, act, jeff, xs, w1r, w1r, b1.reshape(NE, 1, NF), w2r, w2r,
      b2.reshape(NE, 1, ND))


MTILE = 512


def _mix_body(y0_ref, y1_ref, wts_ref, out_ref):
    j = pl.program_id(0)
    w = wts_ref[pl.ds(j * MTILE, MTILE), :]
    out_ref[...] = y0_ref[...] * w[:, 0:1] + y1_ref[...] * w[:, 1:2]


def _mix(ysg, wts):
    return pl.pallas_call(
        _mix_body,
        grid=(NT // MTILE,),
        in_specs=[
            pl.BlockSpec((MTILE, ND), lambda j: (j, 0)),
            pl.BlockSpec((MTILE, ND), lambda j: (j + NT // MTILE, 0)),
            pl.BlockSpec((NT, 2), lambda j: (0, 0)),
        ],
        out_specs=pl.BlockSpec((MTILE, ND), lambda j: (j, 0)),
        out_shape=jax.ShapeDtypeStruct((NT, ND), jnp.float32),
    )(ysg, ysg, wts)


def kernel(x, Wg, W1, b1, W2, b2):
    bs, ss, ds = x.shape
    xf = x.reshape(-1, ds)
    pos, wts, meta = _router(xf, Wg)
    posw = pos.reshape(NW, NCHUNK, CHUNK)
    te, act, jeff = meta[0], meta[1], meta[2]
    xs = _dispatch(xf, posw)
    ys = _ffn(te, act, jeff, xs, W1, b1, W2, b2)
    ysg = _combine_gather(ys, posw)
    out = _mix(ysg, wts)
    return out.reshape(bs, ss, ds)

# --- scband reference (transcript-rebuilt; emitter-appended) ---
"""Pipeline reference for scband-mo-elayer-6116033429798 (READ-ONLY COPY).

The authoritative reference and input builder live on the scoring server;
editing this copy changes nothing except your own understanding.
"""

import jax, jax.numpy as jnp
import numpy as np

E = 64
K = 2
D = 1024
F = 1024
EPS = 1e-20
B, S = 1, 2048


def setup_inputs(seed: int = 0) -> dict:
    key = jax.random.key(seed)
    ks = jax.random.split(key, 5)
    x = jax.random.normal(ks[0], (B, S, D), dtype=jnp.float32)
    Wg = jax.random.normal(ks[1], (E, D), dtype=jnp.float32) * 0.02
    W1 = jax.random.normal(ks[2], (E, F, D), dtype=jnp.float32) * 0.02
    b1 = jnp.zeros((E, F), dtype=jnp.float32)
    W2 = jax.random.normal(ks[3], (E, D, F), dtype=jnp.float32) * 0.02
    b2 = jnp.zeros((E, D), dtype=jnp.float32)
    return {"x": x, "Wg": Wg, "W1": W1, "b1": b1, "W2": W2, "b2": b2}


def reference(x, Wg, W1, b1, W2, b2):
    # Router: linear -> softmax -> top-k -> normalize top-k weights
    Bs, Ss, Ds = x.shape
    xf = x.reshape(-1, Ds)
    logits = xf @ Wg.T
    scores = jax.nn.softmax(logits, axis=-1)
    topk_w, topk_i = jax.lax.top_k(scores, K)
    topk_w = topk_w / (topk_w.sum(axis=-1, keepdims=True) + EPS)

    # moe_infer: per-token gate weight for each expert (top-k indices are
    # distinct, so each (token, expert) gate is the selected weight or zero);
    # scan over experts in id order so per-token accumulation order matches.
    Es = Wg.shape[0]
    gates = jnp.sum(
        jnp.where(
            topk_i[:, :, None] == jnp.arange(Es)[None, None, :],
            topk_w[:, :, None],
            jnp.zeros((), dtype=topk_w.dtype),
        ),
        axis=1,
    )  # (tokens, E)

    def body(out, packed):
        W1e, b1e, W2e, b2e, ge = packed
        h = jax.nn.gelu(xf @ W1e.T + b1e)
        y = h @ W2e.T + b2e
        out = out + y * ge[:, None]
        return out, None

    out0 = jnp.zeros_like(xf)
    out, _ = jax.lax.scan(body, out0, (W1, b1, W2, b2, gates.T))
    return out.reshape(Bs, Ss, Ds)

if __name__ == "__main__":
    import jax
    _d = setup_inputs()
    print(jax.jit(kernel)(*tuple(_d.values())))

</pallas_src>

<mosaic_0001>
#map = affine_map<(d0, d1) -> (0, 0)>
#map1 = affine_map<(d0, d1) -> (0, 0, 0)>
module attributes {stable_mosaic.version = 14 : i64} {
  func.func @_gather_body(%arg0: i32, %arg1: i32, %arg2: memref<12288x1024xf32, #tpu.memory_space<hbm>>, %arg3: memref<32x4x32xi32, #tpu.memory_space<hbm>>, %arg4: memref<4096x1024xf32, #tpu.memory_space<hbm>>, %arg5: memref<4x32xi32, #tpu.memory_space<vmem>>, %arg6: memref<32x1024xf32, #tpu.memory_space<vmem>>, %arg7: memref<32x1024xf32, #tpu.memory_space<vmem>>, %arg8: memref<32x1024xf32, #tpu.memory_space<vmem>>, %arg9: memref<!tpu.dma_semaphore, #tpu.memory_space<semaphore_mem>>, %arg10: memref<!tpu.dma_semaphore, #tpu.memory_space<semaphore_mem>>) attributes {dimension_semantics = [#tpu.dimension_semantics<core_parallel>, #tpu.dimension_semantics<subcore_parallel>], iteration_bounds = array<i64: 2, 16>, scalar_prefetch = 0 : i64, scratch_operands = 6 : i64, tpu.core_type = #tpu.core_type<sc_vector_subcore>, window_params = [{transform_indices = #map}, {transform_indices = #map1}, {transform_indices = #map}]} {
    %mul3A = arith.constant 2 : i32
    %mul3A_0 = arith.muli %arg1, %mul3A : i32
    %add3A = arith.addi %mul3A_0, %arg0 : i32
    %mul3A_1 = arith.constant 128 : i32
    %mul3A_2 = arith.muli %add3A, %mul3A_1 : i32
    "tpu.region"() ({
      %run_scoped3A = tpu.sem_alloc : memref<!tpu.dma_semaphore, #tpu.memory_space<semaphore_mem>>
      %dma_start3A_97 = arith.constant 0 : i32
      %dma_start3A_98 = arith.constant 0 : i32
      %dma_start3A_99 = tpu.memref_slice %arg3[%add3A, %dma_start3A_97, %dma_start3A_98] : memref<32x4x32xi32, #tpu.memory_space<hbm>> -> memref<1x4x32xi32, #tpu.memory_space<hbm>>
      %dma_start3A_100 = tpu.memref_squeeze %dma_start3A_99 : memref<1x4x32xi32, #tpu.memory_space<hbm>> -> memref<4x32xi32, #tpu.memory_space<hbm>>
      %dma_start3A_101 = arith.constant 0 : i32
      %dma_start3A_102 = arith.constant 0 : i32
      %dma_start3A_103 = tpu.memref_slice %arg3[%add3A, %dma_start3A_101, %dma_start3A_102] : memref<32x4x32xi32, #tpu.memory_space<hbm>> -> memref<1x4x32xi32, #tpu.memory_space<hbm>>
      %dma_start3A_104 = tpu.memref_squeeze %dma_start3A_103 : memref<1x4x32xi32, #tpu.memory_space<hbm>> -> memref<4x32xi32, #tpu.memory_space<hbm>>
      tpu.enqueue_dma source(%dma_start3A_104 : memref<4x32xi32, #tpu.memory_space<hbm>>) target(%arg5 : memref<4x32xi32, #tpu.memory_space<vmem>>) target_semaphore(%run_scoped3A : memref<!tpu.dma_semaphore, #tpu.memory_space<semaphore_mem>>)
      %dma_wait3A_105 = arith.constant 0 : i32
      %dma_wait3A_106 = arith.constant 0 : i32
      %dma_wait3A_107 = tpu.memref_slice %arg3[%add3A, %dma_wait3A_105, %dma_wait3A_106] : memref<32x4x32xi32, #tpu.memory_space<hbm>> -> memref<1x4x32xi32, #tpu.memory_space<hbm>>
      %dma_wait3A_108 = tpu.memref_squeeze %dma_wait3A_107 : memref<1x4x32xi32, #tpu.memory_space<hbm>> -> memref<4x32xi32, #tpu.memory_space<hbm>>
      %dma_wait3A_109 = arith.constant 0 : i32
      %dma_wait3A_110 = arith.constant 0 : i32
      %dma_wait3A_111 = tpu.memref_slice %arg3[%add3A, %dma_wait3A_109, %dma_wait3A_110] : memref<32x4x32xi32, #tpu.memory_space<hbm>> -> memref<1x4x32xi32, #tpu.memory_space<hbm>>
      %dma_wait3A_112 = tpu.memref_squeeze %dma_wait3A_111 : memref<1x4x32xi32, #tpu.memory_space<hbm>> -> memref<4x32xi32, #tpu.memory_space<hbm>>
      tpu.wait_dma2 semaphore(%run_scoped3A : memref<!tpu.dma_semaphore, #tpu.memory_space<semaphore_mem>>) src(%dma_wait3A_112 : memref<4x32xi32, #tpu.memory_space<hbm>>) dst(%arg5 : memref<4x32xi32, #tpu.memory_space<vmem>>)
      tpu.yield
    }) : () -> ()
    %dma_start3A = arith.constant 0 : i32
    %dma_start3A_3 = arith.constant 0 : i32
    %dma_start3A_4 = tpu.memref_slice %arg5[%dma_start3A, %dma_start3A_3] : memref<4x32xi32, #tpu.memory_space<vmem>> -> memref<1x32xi32, #tpu.memory_space<vmem>>
    %dma_start3A_5 = tpu.memref_squeeze %dma_start3A_4 : memref<1x32xi32, #tpu.memory_space<vmem>> -> memref<32xi32, #tpu.memory_space<vmem>>
    %dma_start3A_6 = arith.constant 0 : i32
    %dma_start3A_7 = arith.constant 0 : i32
    %dma_start3A_8 = tpu.memref_slice %arg2[%dma_start3A_6, %dma_start3A_7] : memref<12288x1024xf32, #tpu.memory_space<hbm>> -> memref<12288x1024xf32, #tpu.memory_space<hbm>>
    tpu.enqueue_indirect_dma source(%dma_start3A_8 : memref<12288x1024xf32, #tpu.memory_space<hbm>>) target(%arg6 : memref<32x1024xf32, #tpu.memory_space<vmem>>) offsets(%dma_start3A_5 : memref<32xi32, #tpu.memory_space<vmem>>) semaphore(%arg9 : memref<!tpu.dma_semaphore, #tpu.memory_space<semaphore_mem>>)
    %dma_start3A_9 = arith.constant 1 : i32
    %dma_start3A_10 = arith.constant 0 : i32
    %dma_start3A_11 = tpu.memref_slice %arg5[%dma_start3A_9, %dma_start3A_10] : memref<4x32xi32, #tpu.memory_space<vmem>> -> memref<1x32xi32, #tpu.memory_space<vmem>>
    %dma_start3A_12 = tpu.memref_squeeze %dma_start3A_11 : memref<1x32xi32, #tpu.memory_space<vmem>> -> memref<32xi32, #tpu.memory_space<vmem>>
    %dma_start3A_13 = arith.constant 0 : i32
    %dma_start3A_14 = arith.constant 0 : i32
    %dma_start3A_15 = tpu.memref_slice %arg2[%dma_start3A_13, %dma_start3A_14] : memref<12288x1024xf32, #tpu.memory_space<hbm>> -> memref<12288x1024xf32, #tpu.memory_space<hbm>>
    tpu.enqueue_indirect_dma source(%dma_start3A_15 : memref<12288x1024xf32, #tpu.memory_space<hbm>>) target(%arg7 : memref<32x1024xf32, #tpu.memory_space<vmem>>) offsets(%dma_start3A_12 : memref<32xi32, #tpu.memory_space<vmem>>) semaphore(%arg9 : memref<!tpu.dma_semaphore, #tpu.memory_space<semaphore_mem>>)
    %dma_start3A_16 = arith.constant 2 : i32
    %dma_start3A_17 = arith.constant 0 : i32
    %dma_start3A_18 = tpu.memref_slice %arg5[%dma_start3A_16, %dma_start3A_17] : memref<4x32xi32, #tpu.memory_space<vmem>> -> memref<1x32xi32, #tpu.memory_space<vmem>>
    %dma_start3A_19 = tpu.memref_squeeze %dma_start3A_18 : memref<1x32xi32, #tpu.memory_space<vmem>> -> memref<32xi32, #tpu.memory_space<vmem>>
    %dma_start3A_20 = arith.constant 0 : i32
    %dma_start3A_21 = arith.constant 0 : i32
    %dma_start3A_22 = tpu.memref_slice %arg2[%dma_start3A_20, %dma_start3A_21] : memref<12288x1024xf32, #tpu.memory_space<hbm>> -> memref<12288x1024xf32, #tpu.memory_space<hbm>>
    tpu.enqueue_indirect_dma source(%dma_start3A_22 : memref<12288x1024xf32, #tpu.memory_space<hbm>>) target(%arg8 : memref<32x1024xf32, #tpu.memory_space<vmem>>) offsets(%dma_start3A_19 : memref<32xi32, #tpu.memory_space<vmem>>) semaphore(%arg9 : memref<!tpu.dma_semaphore, #tpu.memory_space<semaphore_mem>>)
    %dma_wait3A = arith.constant 0 : i32
    %dma_wait3A_23 = arith.constant 0 : i32
    %dma_wait3A_24 = tpu.memref_slice %arg5[%dma_wait3A, %dma_wait3A_23] : memref<4x32xi32, #tpu.memory_space<vmem>> -> memref<1x32xi32, #tpu.memory_space<vmem>>
    %dma_wait3A_25 = tpu.memref_squeeze %dma_wait3A_24 : memref<1x32xi32, #tpu.memory_space<vmem>> -> memref<32xi32, #tpu.memory_space<vmem>>
    %dma_wait3A_26 = arith.constant 0 : i32
    %dma_wait3A_27 = arith.constant 0 : i32
    %dma_wait3A_28 = tpu.memref_slice %arg2[%dma_wait3A_26, %dma_wait3A_27] : memref<12288x1024xf32, #tpu.memory_space<hbm>> -> memref<12288x1024xf32, #tpu.memory_space<hbm>>
    tpu.wait_indirect_dma semaphore(%arg9 : memref<!tpu.dma_semaphore, #tpu.memory_space<semaphore_mem>>) src(%dma_wait3A_28 : memref<12288x1024xf32, #tpu.memory_space<hbm>>) dst(%arg6 : memref<32x1024xf32, #tpu.memory_space<vmem>>)
    %add3A_29 = arith.constant 0 : i32
    %add3A_30 = arith.addi %mul3A_2, %add3A_29 : i32
    %dma_start3A_31 = arith.constant 0 : i32
    %dma_start3A_32 = tpu.memref_slice %arg4[%add3A_30, %dma_start3A_31] : memref<4096x1024xf32, #tpu.memory_space<hbm>> -> memref<32x1024xf32, #tpu.memory_space<hbm>>
    %dma_start3A_33 = arith.constant 0 : i32
    %dma_start3A_34 = tpu.memref_slice %arg4[%add3A_30, %dma_start3A_33] : memref<4096x1024xf32, #tpu.memory_space<hbm>> -> memref<32x1024xf32, #tpu.memory_space<hbm>>
    tpu.enqueue_dma source(%arg6 : memref<32x1024xf32, #tpu.memory_space<vmem>>) target(%dma_start3A_34 : memref<32x1024xf32, #tpu.memory_space<hbm>>) target_semaphore(%arg10 : memref<!tpu.dma_semaphore, #tpu.memory_space<semaphore_mem>>)
    %dma_wait3A_35 = arith.constant 0 : i32
    %dma_wait3A_36 = tpu.memref_slice %arg4[%add3A_30, %dma_wait3A_35] : memref<4096x1024xf32, #tpu.memory_space<hbm>> -> memref<32x1024xf32, #tpu.memory_space<hbm>>
    %dma_wait3A_37 = arith.constant 0 : i32
    %dma_wait3A_38 = tpu.memref_slice %arg4[%add3A_30, %dma_wait3A_37] : memref<4096x1024xf32, #tpu.memory_space<hbm>> -> memref<32x1024xf32, #tpu.memory_space<hbm>>
    tpu.wait_dma2 semaphore(%arg10 : memref<!tpu.dma_semaphore, #tpu.memory_space<semaphore_mem>>) src(%arg6 : memref<32x1024xf32, #tpu.memory_space<vmem>>) dst(%dma_wait3A_38 : memref<32x1024xf32, #tpu.memory_space<hbm>>)
    %dma_start3A_39 = arith.constant 3 : i32
    %dma_start3A_40 = arith.constant 0 : i32
    %dma_start3A_41 = tpu.memref_slice %arg5[%dma_start3A_39, %dma_start3A_40] : memref<4x32xi32, #tpu.memory_space<vmem>> -> memref<1x32xi32, #tpu.memory_space<vmem>>
    %dma_start3A_42 = tpu.memref_squeeze %dma_start3A_41 : memref<1x32xi32, #tpu.memory_space<vmem>> -> memref<32xi32, #tpu.memory_space<vmem>>
    %dma_start3A_43 = arith.constant 0 : i32
    %dma_start3A_44 = arith.constant 0 : i32
    %dma_start3A_45 = tpu.memref_slice %arg2[%dma_start3A_43, %dma_start3A_44] : memref<12288x1024xf32, #tpu.memory_space<hbm>> -> memref<12288x1024xf32, #tpu.memory_space<hbm>>
    tpu.enqueue_indirect_dma source(%dma_start3A_45 : memref<12288x1024xf32, #tpu.memory_space<hbm>>) target(%arg6 : memref<32x1024xf32, #tpu.memory_space<vmem>>) offsets(%dma_start3A_42 : memref<32xi32, #tpu.memory_space<vmem>>) semaphore(%arg9 : memref<!tpu.dma_semaphore, #tpu.memory_space<semaphore_mem>>)
    %dma_wait3A_46 = arith.constant 1 : i32
    %dma_wait3A_47 = arith.constant 0 : i32
    %dma_wait3A_48 = tpu.memref_slice %arg5[%dma_wait3A_46, %dma_wait3A_47] : memref<4x32xi32, #tpu.memory_space<vmem>> -> memref<1x32xi32, #tpu.memory_space<vmem>>
    %dma_wait3A_49 = tpu.memref_squeeze %dma_wait3A_48 : memref<1x32xi32, #tpu.memory_space<vmem>> -> memref<32xi32, #tpu.memory_space<vmem>>
    %dma_wait3A_50 = arith.constant 0 : i32
    %dma_wait3A_51 = arith.constant 0 : i32
    %dma_wait3A_52 = tpu.memref_slice %arg2[%dma_wait3A_50, %dma_wait3A_51] : memref<12288x1024xf32, #tpu.memory_space<hbm>> -> memref<12288x1024xf32, #tpu.memory_space<hbm>>
    tpu.wait_indirect_dma semaphore(%arg9 : memref<!tpu.dma_semaphore, #tpu.memory_space<semaphore_mem>>) src(%dma_wait3A_52 : memref<12288x1024xf32, #tpu.memory_space<hbm>>) dst(%arg7 : memref<32x1024xf32, #tpu.memory_space<vmem>>)
    %add3A_53 = arith.constant 32 : i32
    %add3A_54 = arith.addi %mul3A_2, %add3A_53 : i32
    %dma_start3A_55 = arith.constant 0 : i32
    %dma_start3A_56 = tpu.memref_slice %arg4[%add3A_54, %dma_start3A_55] : memref<4096x1024xf32, #tpu.memory_space<hbm>> -> memref<32x1024xf32, #tpu.memory_space<hbm>>
    %dma_start3A_57 = arith.constant 0 : i32
    %dma_start3A_58 = tpu.memref_slice %arg4[%add3A_54, %dma_start3A_57] : memref<4096x1024xf32, #tpu.memory_space<hbm>> -> memref<32x1024xf32, #tpu.memory_space<hbm>>
    tpu.enqueue_dma source(%arg7 : memref<32x1024xf32, #tpu.memory_space<vmem>>) target(%dma_start3A_58 : memref<32x1024xf32, #tpu.memory_space<hbm>>) target_semaphore(%arg10 : memref<!tpu.dma_semaphore, #tpu.memory_space<semaphore_mem>>)
    %dma_wait3A_59 = arith.constant 2 : i32
    %dma_wait3A_60 = arith.constant 0 : i32
    %dma_wait3A_61 = tpu.memref_slice %arg5[%dma_wait3A_59, %dma_wait3A_60] : memref<4x32xi32, #tpu.memory_space<vmem>> -> memref<1x32xi32, #tpu.memory_space<vmem>>
    %dma_wait3A_62 = tpu.memref_squeeze %dma_wait3A_61 : memref<1x32xi32, #tpu.memory_space<vmem>> -> memref<32xi32, #tpu.memory_space<vmem>>
    %dma_wait3A_63 = arith.constant 0 : i32
    %dma_wait3A_64 = arith.constant 0 : i32
    %dma_wait3A_65 = tpu.memref_slice %arg2[%dma_wait3A_63, %dma_wait3A_64] : memref<12288x1024xf32, #tpu.memory_space<hbm>> -> memref<12288x1024xf32, #tpu.memory_space<hbm>>
    tpu.wait_indirect_dma semaphore(%arg9 : memref<!tpu.dma_semaphore, #tpu.memory_space<semaphore_mem>>) src(%dma_wait3A_65 : memref<12288x1024xf32, #tpu.memory_space<hbm>>) dst(%arg8 : memref<32x1024xf32, #tpu.memory_space<vmem>>)
    %add3A_66 = arith.constant 64 : i32
    %add3A_67 = arith.addi %mul3A_2, %add3A_66 : i32
    %dma_start3A_68 = arith.constant 0 : i32
    %dma_start3A_69 = tpu.memref_slice %arg4[%add3A_67, %dma_start3A_68] : memref<4096x1024xf32, #tpu.memory_space<hbm>> -> memref<32x1024xf32, #tpu.memory_space<hbm>>
    %dma_start3A_70 = arith.constant 0 : i32
    %dma_start3A_71 = tpu.memref_slice %arg4[%add3A_67, %dma_start3A_70] : memref<4096x1024xf32, #tpu.memory_space<hbm>> -> memref<32x1024xf32, #tpu.memory_space<hbm>>
    tpu.enqueue_dma source(%arg8 : memref<32x1024xf32, #tpu.memory_space<vmem>>) target(%dma_start3A_71 : memref<32x1024xf32, #tpu.memory_space<hbm>>) target_semaphore(%arg10 : memref<!tpu.dma_semaphore, #tpu.memory_space<semaphore_mem>>)
    %dma_wait3A_72 = arith.constant 3 : i32
    %dma_wait3A_73 = arith.constant 0 : i32
    %dma_wait3A_74 = tpu.memref_slice %arg5[%dma_wait3A_72, %dma_wait3A_73] : memref<4x32xi32, #tpu.memory_space<vmem>> -> memref<1x32xi32, #tpu.memory_space<vmem>>
    %dma_wait3A_75 = tpu.memref_squeeze %dma_wait3A_74 : memref<1x32xi32, #tpu.memory_space<vmem>> -> memref<32xi32, #tpu.memory_space<vmem>>
    %dma_wait3A_76 = arith.constant 0 : i32
    %dma_wait3A_77 = arith.constant 0 : i32
    %dma_wait3A_78 = tpu.memref_slice %arg2[%dma_wait3A_76, %dma_wait3A_77] : memref<12288x1024xf32, #tpu.memory_space<hbm>> -> memref<12288x1024xf32, #tpu.memory_space<hbm>>
    tpu.wait_indirect_dma semaphore(%arg9 : memref<!tpu.dma_semaphore, #tpu.memory_space<semaphore_mem>>) src(%dma_wait3A_78 : memref<12288x1024xf32, #tpu.memory_space<hbm>>) dst(%arg6 : memref<32x1024xf32, #tpu.memory_space<vmem>>)
    %add3A_79 = arith.constant 96 : i32
    %add3A_80 = arith.addi %mul3A_2, %add3A_79 : i32
    %dma_start3A_81 = arith.constant 0 : i32
    %dma_start3A_82 = tpu.memref_slice %arg4[%add3A_80, %dma_start3A_81] : memref<4096x1024xf32, #tpu.memory_space<hbm>> -> memref<32x1024xf32, #tpu.memory_space<hbm>>
    %dma_start3A_83 = arith.constant 0 : i32
    %dma_start3A_84 = tpu.memref_slice %arg4[%add3A_80, %dma_start3A_83] : memref<4096x1024xf32, #tpu.memory_space<hbm>> -> memref<32x1024xf32, #tpu.memory_space<hbm>>
    tpu.enqueue_dma source(%arg6 : memref<32x1024xf32, #tpu.memory_space<vmem>>) target(%dma_start3A_84 : memref<32x1024xf32, #tpu.memory_space<hbm>>) target_semaphore(%arg10 : memref<!tpu.dma_semaphore, #tpu.memory_space<semaphore_mem>>)
    %dma_wait3A_85 = arith.constant 0 : i32
    %dma_wait3A_86 = tpu.memref_slice %arg4[%add3A_54, %dma_wait3A_85] : memref<4096x1024xf32, #tpu.memory_space<hbm>> -> memref<32x1024xf32, #tpu.memory_space<hbm>>
    %dma_wait3A_87 = arith.constant 0 : i32
    %dma_wait3A_88 = tpu.memref_slice %arg4[%add3A_54, %dma_wait3A_87] : memref<4096x1024xf32, #tpu.memory_space<hbm>> -> memref<32x1024xf32, #tpu.memory_space<hbm>>
    tpu.wait_dma2 semaphore(%arg10 : memref<!tpu.dma_semaphore, #tpu.memory_space<semaphore_mem>>) src(%arg7 : memref<32x1024xf32, #tpu.memory_space<vmem>>) dst(%dma_wait3A_88 : memref<32x1024xf32, #tpu.memory_space<hbm>>)
    %dma_wait3A_89 = arith.constant 0 : i32
    %dma_wait3A_90 = tpu.memref_slice %arg4[%add3A_67, %dma_wait3A_89] : memref<4096x1024xf32, #tpu.memory_space<hbm>> -> memref<32x1024xf32, #tpu.memory_space<hbm>>
    %dma_wait3A_91 = arith.constant 0 : i32
    %dma_wait3A_92 = tpu.memref_slice %arg4[%add3A_67, %dma_wait3A_91] : memref<4096x1024xf32, #tpu.memory_space<hbm>> -> memref<32x1024xf32, #tpu.memory_space<hbm>>
    tpu.wait_dma2 semaphore(%arg10 : memref<!tpu.dma_semaphore, #tpu.memory_space<semaphore_mem>>) src(%arg8 : memref<32x1024xf32, #tpu.memory_space<vmem>>) dst(%dma_wait3A_92 : memref<32x1024xf32, #tpu.memory_space<hbm>>)
    %dma_wait3A_93 = arith.constant 0 : i32
    %dma_wait3A_94 = tpu.memref_slice %arg4[%add3A_80, %dma_wait3A_93] : memref<4096x1024xf32, #tpu.memory_space<hbm>> -> memref<32x1024xf32, #tpu.memory_space<hbm>>
    %dma_wait3A_95 = arith.constant 0 : i32
    %dma_wait3A_96 = tpu.memref_slice %arg4[%add3A_80, %dma_wait3A_95] : memref<4096x1024xf32, #tpu.memory_space<hbm>> -> memref<32x1024xf32, #tpu.memory_space<hbm>>
    tpu.wait_dma2 semaphore(%arg10 : memref<!tpu.dma_semaphore, #tpu.memory_space<semaphore_mem>>) src(%arg6 : memref<32x1024xf32, #tpu.memory_space<vmem>>) dst(%dma_wait3A_96 : memref<32x1024xf32, #tpu.memory_space<hbm>>)
    return
  }
}

#map = affine_map<(d0, d1) -> (0, 0)>
#map1 = affine_map<(d0, d1) -> (0, 0, 0)>
module attributes {stable_mosaic.version = 14 : i64} {
  func.func @_dispatch_body(%arg0: i32, %arg1: i32, %arg2: memref<2048x1024xf32, #tpu.memory_space<hbm>>, %arg3: memref<32x4x32xi32, #tpu.memory_space<hbm>>, %arg4: memref<12288x1024xf32, #tpu.memory_space<hbm>>, %arg5: memref<4x32xi32, #tpu.memory_space<vmem>>, %arg6: memref<32x1024xf32, #tpu.memory_space<vmem>>, %arg7: memref<32x1024xf32, #tpu.memory_space<vmem>>, %arg8: memref<32x1024xf32, #tpu.memory_space<vmem>>, %arg9: memref<!tpu.dma_semaphore, #tpu.memory_space<semaphore_mem>>, %arg10: memref<!tpu.dma_semaphore, #tpu.memory_space<semaphore_mem>>) attributes {dimension_semantics = [#tpu.dimension_semantics<core_parallel>, #tpu.dimension_semantics<subcore_parallel>], iteration_bounds = array<i64: 2, 16>, scalar_prefetch = 0 : i64, scratch_operands = 6 : i64, tpu.core_type = #tpu.core_type<sc_vector_subcore>, window_params = [{transform_indices = #map}, {transform_indices = #map1}, {transform_indices = #map}]} {
    %mul3A = arith.constant 2 : i32
    %mul3A_0 = arith.muli %arg1, %mul3A : i32
    %add3A = arith.addi %mul3A_0, %arg0 : i32
    %mul3A_1 = arith.constant 128 : i32
    %mul3A_2 = arith.muli %add3A, %mul3A_1 : i32
    %rem3A = arith.constant 2048 : i32
    %rem3A_3 = arith.remsi %mul3A_2, %rem3A : i32
    "tpu.region"() ({
      %run_scoped3A = tpu.sem_alloc : memref<!tpu.dma_semaphore, #tpu.memory_space<semaphore_mem>>
      %dma_start3A_98 = arith.constant 0 : i32
      %dma_start3A_99 = arith.constant 0 : i32
      %dma_start3A_100 = tpu.memref_slice %arg3[%add3A, %dma_start3A_98, %dma_start3A_99] : memref<32x4x32xi32, #tpu.memory_space<hbm>> -> memref<1x4x32xi32, #tpu.memory_space<hbm>>
      %dma_start3A_101 = tpu.memref_squeeze %dma_start3A_100 : memref<1x4x32xi32, #tpu.memory_space<hbm>> -> memref<4x32xi32, #tpu.memory_space<hbm>>
      %dma_start3A_102 = arith.constant 0 : i32
      %dma_start3A_103 = arith.constant 0 : i32
      %dma_start3A_104 = tpu.memref_slice %arg3[%add3A, %dma_start3A_102, %dma_start3A_103] : memref<32x4x32xi32, #tpu.memory_space<hbm>> -> memref<1x4x32xi32, #tpu.memory_space<hbm>>
      %dma_start3A_105 = tpu.memref_squeeze %dma_start3A_104 : memref<1x4x32xi32, #tpu.memory_space<hbm>> -> memref<4x32xi32, #tpu.memory_space<hbm>>
      tpu.enqueue_dma source(%dma_start3A_105 : memref<4x32xi32, #tpu.memory_space<hbm>>) target(%arg5 : memref<4x32xi32, #tpu.memory_space<vmem>>) target_semaphore(%run_scoped3A : memref<!tpu.dma_semaphore, #tpu.memory_space<semaphore_mem>>)
      %dma_wait3A_106 = arith.constant 0 : i32
      %dma_wait3A_107 = arith.constant 0 : i32
      %dma_wait3A_108 = tpu.memref_slice %arg3[%add3A, %dma_wait3A_106, %dma_wait3A_107] : memref<32x4x32xi32, #tpu.memory_space<hbm>> -> memref<1x4x32xi32, #tpu.memory_space<hbm>>
      %dma_wait3A_109 = tpu.memref_squeeze %dma_wait3A_108 : memref<1x4x32xi32, #tpu.memory_space<hbm>> -> memref<4x32xi32, #tpu.memory_space<hbm>>
      %dma_wait3A_110 = arith.constant 0 : i32
      %dma_wait3A_111 = arith.constant 0 : i32
      %dma_wait3A_112 = tpu.memref_slice %arg3[%add3A, %dma_wait3A_110, %dma_wait3A_111] : memref<32x4x32xi32, #tpu.memory_space<hbm>> -> memref<1x4x32xi32, #tpu.memory_space<hbm>>
      %dma_wait3A_113 = tpu.memref_squeeze %dma_wait3A_112 : memref<1x4x32xi32, #tpu.memory_space<hbm>> -> memref<4x32xi32, #tpu.memory_space<hbm>>
      tpu.wait_dma2 semaphore(%run_scoped3A : memref<!tpu.dma_semaphore, #tpu.memory_space<semaphore_mem>>) src(%dma_wait3A_113 : memref<4x32xi32, #tpu.memory_space<hbm>>) dst(%arg5 : memref<4x32xi32, #tpu.memory_space<vmem>>)
      tpu.yield
    }) : () -> ()
    %add3A_4 = arith.constant 0 : i32
    %add3A_5 = arith.addi %rem3A_3, %add3A_4 : i32
    %dma_start3A = arith.constant 0 : i32
    %dma_start3A_6 = tpu.memref_slice %arg2[%add3A_5, %dma_start3A] : memref<2048x1024xf32, #tpu.memory_space<hbm>> -> memref<32x1024xf32, #tpu.memory_space<hbm>>
    %dma_start3A_7 = arith.constant 0 : i32
    %dma_start3A_8 = tpu.memref_slice %arg2[%add3A_5, %dma_start3A_7] : memref<2048x1024xf32, #tpu.memory_space<hbm>> -> memref<32x1024xf32, #tpu.memory_space<hbm>>
    tpu.enqueue_dma source(%dma_start3A_8 : memref<32x1024xf32, #tpu.memory_space<hbm>>) target(%arg6 : memref<32x1024xf32, #tpu.memory_space<vmem>>) target_semaphore(%arg9 : memref<!tpu.dma_semaphore, #tpu.memory_space<semaphore_mem>>)
    %add3A_9 = arith.constant 32 : i32
    %add3A_10 = arith.addi %rem3A_3, %add3A_9 : i32
    %dma_start3A_11 = arith.constant 0 : i32
    %dma_start3A_12 = tpu.memref_slice %arg2[%add3A_10, %dma_start3A_11] : memref<2048x1024xf32, #tpu.memory_space<hbm>> -> memref<32x1024xf32, #tpu.memory_space<hbm>>
    %dma_start3A_13 = arith.constant 0 : i32
    %dma_start3A_14 = tpu.memref_slice %arg2[%add3A_10, %dma_start3A_13] : memref<2048x1024xf32, #tpu.memory_space<hbm>> -> memref<32x1024xf32, #tpu.memory_space<hbm>>
    tpu.enqueue_dma source(%dma_start3A_14 : memref<32x1024xf32, #tpu.memory_space<hbm>>) target(%arg7 : memref<32x1024xf32, #tpu.memory_space<vmem>>) target_semaphore(%arg9 : memref<!tpu.dma_semaphore, #tpu.memory_space<semaphore_mem>>)
    %add3A_15 = arith.constant 64 : i32
    %add3A_16 = arith.addi %rem3A_3, %add3A_15 : i32
    %dma_start3A_17 = arith.constant 0 : i32
    %dma_start3A_18 = tpu.memref_slice %arg2[%add3A_16, %dma_start3A_17] : memref<2048x1024xf32, #tpu.memory_space<hbm>> -> memref<32x1024xf32, #tpu.memory_space<hbm>>
    %dma_start3A_19 = arith.constant 0 : i32
    %dma_start3A_20 = tpu.memref_slice %arg2[%add3A_16, %dma_start3A_19] : memref<2048x1024xf32, #tpu.memory_space<hbm>> -> memref<32x1024xf32, #tpu.memory_space<hbm>>
    tpu.enqueue_dma source(%dma_start3A_20 : memref<32x1024xf32, #tpu.memory_space<hbm>>) target(%arg8 : memref<32x1024xf32, #tpu.memory_space<vmem>>) target_semaphore(%arg9 : memref<!tpu.dma_semaphore, #tpu.memory_space<semaphore_mem>>)
    %dma_wait3A = arith.constant 0 : i32
    %dma_wait3A_21 = tpu.memref_slice %arg2[%add3A_5, %dma_wait3A] : memref<2048x1024xf32, #tpu.memory_space<hbm>> -> memref<32x1024xf32, #tpu.memory_space<hbm>>
    %dma_wait3A_22 = arith.constant 0 : i32
    %dma_wait3A_23 = tpu.memref_slice %arg2[%add3A_5, %dma_wait3A_22] : memref<2048x1024xf32, #tpu.memory_space<hbm>> -> memref<32x1024xf32, #tpu.memory_space<hbm>>
    tpu.wait_dma2 semaphore(%arg9 : memref<!tpu.dma_semaphore, #tpu.memory_space<semaphore_mem>>) src(%dma_wait3A_23 : memref<32x1024xf32, #tpu.memory_space<hbm>>) dst(%arg6 : memref<32x1024xf32, #tpu.memory_space<vmem>>)
    %dma_start3A_24 = arith.constant 0 : i32
    %dma_start3A_25 = arith.constant 0 : i32
    %dma_start3A_26 = tpu.memref_slice %arg5[%dma_start3A_24, %dma_start3A_25] : memref<4x32xi32, #tpu.memory_space<vmem>> -> memref<1x32xi32, #tpu.memory_space<vmem>>
    %dma_start3A_27 = tpu.memref_squeeze %dma_start3A_26 : memref<1x32xi32, #tpu.memory_space<vmem>> -> memref<32xi32, #tpu.memory_space<vmem>>
    %dma_start3A_28 = arith.constant 0 : i32
    %dma_start3A_29 = arith.constant 0 : i32
    %dma_start3A_30 = tpu.memref_slice %arg4[%dma_start3A_28, %dma_start3A_29] : memref<12288x1024xf32, #tpu.memory_space<hbm>> -> memref<12288x1024xf32, #tpu.memory_space<hbm>>
    tpu.enqueue_indirect_dma source(%arg6 : memref<32x1024xf32, #tpu.memory_space<vmem>>) target(%dma_start3A_30 : memref<12288x1024xf32, #tpu.memory_space<hbm>>) offsets(%dma_start3A_27 : memref<32xi32, #tpu.memory_space<vmem>>) semaphore(%arg10 : memref<!tpu.dma_semaphore, #tpu.memory_space<semaphore_mem>>)
    %dma_wait3A_31 = arith.constant 0 : i32
    %dma_wait3A_32 = arith.constant 0 : i32
    %dma_wait3A_33 = tpu.memref_slice %arg5[%dma_wait3A_31, %dma_wait3A_32] : memref<4x32xi32, #tpu.memory_space<vmem>> -> memref<1x32xi32, #tpu.memory_space<vmem>>
    %dma_wait3A_34 = tpu.memref_squeeze %dma_wait3A_33 : memref<1x32xi32, #tpu.memory_space<vmem>> -> memref<32xi32, #tpu.memory_space<vmem>>
    %dma_wait3A_35 = arith.constant 0 : i32
    %dma_wait3A_36 = arith.constant 0 : i32
    %dma_wait3A_37 = tpu.memref_slice %arg4[%dma_wait3A_35, %dma_wait3A_36] : memref<12288x1024xf32, #tpu.memory_space<hbm>> -> memref<12288x1024xf32, #tpu.memory_space<hbm>>
    tpu.wait_indirect_dma semaphore(%arg10 : memref<!tpu.dma_semaphore, #tpu.memory_space<semaphore_mem>>) src(%arg6 : memref<32x1024xf32, #tpu.memory_space<vmem>>) dst(%dma_wait3A_37 : memref<12288x1024xf32, #tpu.memory_space<hbm>>)
    %add3A_38 = arith.constant 96 : i32
    %add3A_39 = arith.addi %rem3A_3, %add3A_38 : i32
    %dma_start3A_40 = arith.constant 0 : i32
    %dma_start3A_41 = tpu.memref_slice %arg2[%add3A_39, %dma_start3A_40] : memref<2048x1024xf32, #tpu.memory_space<hbm>> -> memref<32x1024xf32, #tpu.memory_space<hbm>>
    %dma_start3A_42 = arith.constant 0 : i32
    %dma_start3A_43 = tpu.memref_slice %arg2[%add3A_39, %dma_start3A_42] : memref<2048x1024xf32, #tpu.memory_space<hbm>> -> memref<32x1024xf32, #tpu.memory_space<hbm>>
    tpu.enqueue_dma source(%dma_start3A_43 : memref<32x1024xf32, #tpu.memory_space<hbm>>) target(%arg6 : memref<32x1024xf32, #tpu.memory_space<vmem>>) target_semaphore(%arg9 : memref<!tpu.dma_semaphore, #tpu.memory_space<semaphore_mem>>)
    %dma_wait3A_44 = arith.constant 0 : i32
    %dma_wait3A_45 = tpu.memref_slice %arg2[%add3A_10, %dma_wait3A_44] : memref<2048x1024xf32, #tpu.memory_space<hbm>> -> memref<32x1024xf32, #tpu.memory_space<hbm>>
    %dma_wait3A_46 = arith.constant 0 : i32
    %dma_wait3A_47 = tpu.memref_slice %arg2[%add3A_10, %dma_wait3A_46] : memref<2048x1024xf32, #tpu.memory_space<hbm>> -> memref<32x1024xf32, #tpu.memory_space<hbm>>
    tpu.wait_dma2 semaphore(%arg9 : memref<!tpu.dma_semaphore, #tpu.memory_space<semaphore_mem>>) src(%dma_wait3A_47 : memref<32x1024xf32, #tpu.memory_space<hbm>>) dst(%arg7 : memref<32x1024xf32, #tpu.memory_space<vmem>>)
    %dma_start3A_48 = arith.constant 1 : i32
    %dma_start3A_49 = arith.constant 0 : i32
    %dma_start3A_50 = tpu.memref_slice %arg5[%dma_start3A_48, %dma_start3A_49] : memref<4x32xi32, #tpu.memory_space<vmem>> -> memref<1x32xi32, #tpu.memory_space<vmem>>
    %dma_start3A_51 = tpu.memref_squeeze %dma_start3A_50 : memref<1x32xi32, #tpu.memory_space<vmem>> -> memref<32xi32, #tpu.memory_space<vmem>>
    %dma_start3A_52 = arith.constant 0 : i32
    %dma_start3A_53 = arith.constant 0 : i32
    %dma_start3A_54 = tpu.memref_slice %arg4[%dma_start3A_52, %dma_start3A_53] : memref<12288x1024xf32, #tpu.memory_space<hbm>> -> memref<12288x1024xf32, #tpu.memory_space<hbm>>
    tpu.enqueue_indirect_dma source(%arg7 : memref<32x1024xf32, #tpu.memory_space<vmem>>) target(%dma_start3A_54 : memref<12288x1024xf32, #tpu.memory_space<hbm>>) offsets(%dma_start3A_51 : memref<32xi32, #tpu.memory_space<vmem>>) semaphore(%arg10 : memref<!tpu.dma_semaphore, #tpu.memory_space<semaphore_mem>>)
    %dma_wait3A_55 = arith.constant 0 : i32
    %dma_wait3A_56 = tpu.memref_slice %arg2[%add3A_16, %dma_wait3A_55] : memref<2048x1024xf32, #tpu.memory_space<hbm>> -> memref<32x1024xf32, #tpu.memory_space<hbm>>
    %dma_wait3A_57 = arith.constant 0 : i32
    %dma_wait3A_58 = tpu.memref_slice %arg2[%add3A_16, %dma_wait3A_57] : memref<2048x1024xf32, #tpu.memory_space<hbm>> -> memref<32x1024xf32, #tpu.memory_space<hbm>>
    tpu.wait_dma2 semaphore(%arg9 : memref<!tpu.dma_semaphore, #tpu.memory_space<semaphore_mem>>) src(%dma_wait3A_58 : memref<32x1024xf32, #tpu.memory_space<hbm>>) dst(%arg8 : memref<32x1024xf32, #tpu.memory_space<vmem>>)
    %dma_start3A_59 = arith.constant 2 : i32
    %dma_start3A_60 = arith.constant 0 : i32
    %dma_start3A_61 = tpu.memref_slice %arg5[%dma_start3A_59, %dma_start3A_60] : memref<4x32xi32, #tpu.memory_space<vmem>> -> memref<1x32xi32, #tpu.memory_space<vmem>>
    %dma_start3A_62 = tpu.memref_squeeze %dma_start3A_61 : memref<1x32xi32, #tpu.memory_space<vmem>> -> memref<32xi32, #tpu.memory_space<vmem>>
    %dma_start3A_63 = arith.constant 0 : i32
    %dma_start3A_64 = arith.constant 0 : i32
    %dma_start3A_65 = tpu.memref_slice %arg4[%dma_start3A_63, %dma_start3A_64] : memref<12288x1024xf32, #tpu.memory_space<hbm>> -> memref<12288x1024xf32, #tpu.memory_space<hbm>>
    tpu.enqueue_indirect_dma source(%arg8 : memref<32x1024xf32, #tpu.memory_space<vmem>>) target(%dma_start3A_65 : memref<12288x1024xf32, #tpu.memory_space<hbm>>) offsets(%dma_start3A_62 : memref<32xi32, #tpu.memory_space<vmem>>) semaphore(%arg10 : memref<!tpu.dma_semaphore, #tpu.memory_space<semaphore_mem>>)
    %dma_wait3A_66 = arith.constant 0 : i32
    %dma_wait3A_67 = tpu.memref_slice %arg2[%add3A_39, %dma_wait3A_66] : memref<2048x1024xf32, #tpu.memory_space<hbm>> -> memref<32x1024xf32, #tpu.memory_space<hbm>>
    %dma_wait3A_68 = arith.constant 0 : i32
    %dma_wait3A_69 = tpu.memref_slice %arg2[%add3A_39, %dma_wait3A_68] : memref<2048x1024xf32, #tpu.memory_space<hbm>> -> memref<32x1024xf32, #tpu.memory_space<hbm>>
    tpu.wait_dma2 semaphore(%arg9 : memref<!tpu.dma_semaphore, #tpu.memory_space<semaphore_mem>>) src(%dma_wait3A_69 : memref<32x1024xf32, #tpu.memory_space<hbm>>) dst(%arg6 : memref<32x1024xf32, #tpu.memory_space<vmem>>)
    %dma_start3A_70 = arith.constant 3 : i32
    %dma_start3A_71 = arith.constant 0 : i32
    %dma_start3A_72 = tpu.memref_slice %arg5[%dma_start3A_70, %dma_start3A_71] : memref<4x32xi32, #tpu.memory_space<vmem>> -> memref<1x32xi32, #tpu.memory_space<vmem>>
    %dma_start3A_73 = tpu.memref_squeeze %dma_start3A_72 : memref<1x32xi32, #tpu.memory_space<vmem>> -> memref<32xi32, #tpu.memory_space<vmem>>
    %dma_start3A_74 = arith.constant 0 : i32
    %dma_start3A_75 = arith.constant 0 : i32
    %dma_start3A_76 = tpu.memref_slice %arg4[%dma_start3A_74, %dma_start3A_75] : memref<12288x1024xf32, #tpu.memory_space<hbm>> -> memref<12288x1024xf32, #tpu.memory_space<hbm>>
    tpu.enqueue_indirect_dma source(%arg6 : memref<32x1024xf32, #tpu.memory_space<vmem>>) target(%dma_start3A_76 : memref<12288x1024xf32, #tpu.memory_space<hbm>>) offsets(%dma_start3A_73 : memref<32xi32, #tpu.memory_space<vmem>>) semaphore(%arg10 : memref<!tpu.dma_semaphore, #tpu.memory_space<semaphore_mem>>)
    %dma_wait3A_77 = arith.constant 1 : i32
    %dma_wait3A_78 = arith.constant 0 : i32
    %dma_wait3A_79 = tpu.memref_slice %arg5[%dma_wait3A_77, %dma_wait3A_78] : memref<4x32xi32, #tpu.memory_space<vmem>> -> memref<1x32xi32, #tpu.memory_space<vmem>>
    %dma_wait3A_80 = tpu.memref_squeeze %dma_wait3A_79 : memref<1x32xi32, #tpu.memory_space<vmem>> -> memref<32xi32, #tpu.memory_space<vmem>>
    %dma_wait3A_81 = arith.constant 0 : i32
    %dma_wait3A_82 = arith.constant 0 : i32
    %dma_wait3A_83 = tpu.memref_slice %arg4[%dma_wait3A_81, %dma_wait3A_82] : memref<12288x1024xf32, #tpu.memory_space<hbm>> -> memref<12288x1024xf32, #tpu.memory_space<hbm>>
    tpu.wait_indirect_dma semaphore(%arg10 : memref<!tpu.dma_semaphore, #tpu.memory_space<semaphore_mem>>) src(%arg7 : memref<32x1024xf32, #tpu.memory_space<vmem>>) dst(%dma_wait3A_83 : memref<12288x1024xf32, #tpu.memory_space<hbm>>)
    %dma_wait3A_84 = arith.constant 2 : i32
    %dma_wait3A_85 = arith.constant 0 : i32
    %dma_wait3A_86 = tpu.memref_slice %arg5[%dma_wait3A_84, %dma_wait3A_85] : memref<4x32xi32, #tpu.memory_space<vmem>> -> memref<1x32xi32, #tpu.memory_space<vmem>>
    %dma_wait3A_87 = tpu.memref_squeeze %dma_wait3A_86 : memref<1x32xi32, #tpu.memory_space<vmem>> -> memref<32xi32, #tpu.memory_space<vmem>>
    %dma_wait3A_88 = arith.constant 0 : i32
    %dma_wait3A_89 = arith.constant 0 : i32
    %dma_wait3A_90 = tpu.memref_slice %arg4[%dma_wait3A_88, %dma_wait3A_89] : memref<12288x1024xf32, #tpu.memory_space<hbm>> -> memref<12288x1024xf32, #tpu.memory_space<hbm>>
    tpu.wait_indirect_dma semaphore(%arg10 : memref<!tpu.dma_semaphore, #tpu.memory_space<semaphore_mem>>) src(%arg8 : memref<32x1024xf32, #tpu.memory_space<vmem>>) dst(%dma_wait3A_90 : memref<12288x1024xf32, #tpu.memory_space<hbm>>)
    %dma_wait3A_91 = arith.constant 3 : i32
    %dma_wait3A_92 = arith.constant 0 : i32
    %dma_wait3A_93 = tpu.memref_slice %arg5[%dma_wait3A_91, %dma_wait3A_92] : memref<4x32xi32, #tpu.memory_space<vmem>> -> memref<1x32xi32, #tpu.memory_space<vmem>>
    %dma_wait3A_94 = tpu.memref_squeeze %dma_wait3A_93 : memref<1x32xi32, #tpu.memory_space<vmem>> -> memref<32xi32, #tpu.memory_space<vmem>>
    %dma_wait3A_95 = arith.constant 0 : i32
    %dma_wait3A_96 = arith.constant 0 : i32
    %dma_wait3A_97 = tpu.memref_slice %arg4[%dma_wait3A_95, %dma_wait3A_96] : memref<12288x1024xf32, #tpu.memory_space<hbm>> -> memref<12288x1024xf32, #tpu.memory_space<hbm>>
    tpu.wait_indirect_dma semaphore(%arg10 : memref<!tpu.dma_semaphore, #tpu.memory_space<semaphore_mem>>) src(%arg6 : memref<32x1024xf32, #tpu.memory_space<vmem>>) dst(%dma_wait3A_97 : memref<12288x1024xf32, #tpu.memory_space<hbm>>)
    return
  }
}

module attributes {stable_mosaic.version = 14 : i64} {
  func.func @_router_body(%arg0: memref<2048x1024xf32, #tpu.memory_space<vmem>>, %arg1: memref<64x1024xf32, #tpu.memory_space<vmem>>, %arg2: memref<4096x1xi32, #tpu.memory_space<vmem>>, %arg3: memref<2048x2xf32, #tpu.memory_space<vmem>>, %arg4: memref<3x128xi32, #tpu.memory_space<vmem>>) attributes {dimension_semantics = [], scalar_prefetch = 0 : i64, scratch_operands = 0 : i64, tpu.core_type = #tpu.core_type<tc>} {
    %get3A = arith.constant 0 : index
    %get3A_0 = arith.constant 0 : index
    %get3A_1 = vector.load %arg0[%get3A, %get3A_0] : memref<2048x1024xf32, #tpu.memory_space<vmem>>, vector<2048x1024xf32>
    %get3A_2 = arith.constant 0 : index
    %get3A_3 = arith.constant 0 : index
    %get3A_4 = vector.load %arg1[%get3A_2, %get3A_3] : memref<64x1024xf32, #tpu.memory_space<vmem>>, vector<64x1024xf32>
    %dot_general3A = arith.constant dense<0.000000e+00> : vector<2048x64xf32>
    %dot_general3A_5 = tpu.matmul %get3A_1, %get3A_4, %dot_general3A {dimension_numbers = #tpu.dot_dimension_numbers<[1], [1], [0], [0], [0, 0, 1, 0], [], []>, transpose_lhs_hint = false} : vector<2048x1024xf32>, vector<64x1024xf32>, vector<2048x64xf32> -> vector<2048x64xf32>
    %reduce_max3A = arith.constant dense<0xFF800000> : vector<2048xf32>
    %reduce_max3A_6 = vector.multi_reduction <maximumf>, %dot_general3A_5, %reduce_max3A [1] : vector<2048x64xf32> to vector<2048xf32>
    %broadcast_in_dim3A = vector.shape_cast %reduce_max3A_6 : vector<2048xf32> to vector<2048x1xf32>
    %sub3A = vector.broadcast %broadcast_in_dim3A : vector<2048x1xf32> to vector<2048x64xf32>
    %sub3A_7 = arith.subf %dot_general3A_5, %sub3A : vector<2048x64xf32>
    %exp3A = math.exp %sub3A_7 : vector<2048x64xf32>
    %reduce_sum3A = arith.constant dense<0.000000e+00> : vector<2048xf32>
    %reduce_sum3A_8 = vector.multi_reduction <add>, %exp3A, %reduce_sum3A [1] : vector<2048x64xf32> to vector<2048xf32>
    %broadcast_in_dim3A_9 = vector.shape_cast %reduce_sum3A_8 : vector<2048xf32> to vector<2048x1xf32>
    %div3A = vector.broadcast %broadcast_in_dim3A_9 : vector<2048x1xf32> to vector<2048x64xf32>
    %div3A_10 = arith.divf %exp3A, %div3A : vector<2048x64xf32>
    %iota3A = tpu.iota {dimensions = array<i32: 0>} : vector<64x64xi32>
    %iota3A_11 = tpu.iota {dimensions = array<i32: 1>} : vector<64x64xi32>
    %le3A = arith.cmpi sle, %iota3A, %iota3A_11 : vector<64x64xi32>
    %convert_element_type3A = arith.extui %le3A : vector<64x64xi1> to vector<64x64xi32>
    %convert_element_type3A_12 = arith.sitofp %convert_element_type3A : vector<64x64xi32> to vector<64x64xf32>
    %reduce_max3A_13 = arith.constant dense<0xFF800000> : vector<2048xf32>
    %reduce_max3A_14 = vector.multi_reduction <maximumf>, %div3A_10, %reduce_max3A_13 [1] : vector<2048x64xf32> to vector<2048xf32>
    %broadcast_in_dim3A_15 = vector.shape_cast %reduce_max3A_14 : vector<2048xf32> to vector<2048x1xf32>
    %eq3A = vector.broadcast %broadcast_in_dim3A_15 : vector<2048x1xf32> to vector<2048x64xf32>
    %eq3A_16 = arith.cmpf oeq, %div3A_10, %eq3A : vector<2048x64xf32>
    %convert_element_type3A_17 = arith.extui %eq3A_16 : vector<2048x64xi1> to vector<2048x64xi32>
    %convert_element_type3A_18 = arith.sitofp %convert_element_type3A_17 : vector<2048x64xi32> to vector<2048x64xf32>
    %dot_general3A_19 = arith.constant dense<0.000000e+00> : vector<2048x64xf32>
    %dot_general3A_20 = tpu.matmul %convert_element_type3A_18, %convert_element_type3A_12, %dot_general3A_19 {dimension_numbers = #tpu.dot_dimension_numbers<[1], [0], [0], [1], [0, 0, 1, 1], [], []>, transpose_lhs_hint = false} : vector<2048x64xf32>, vector<64x64xf32>, vector<2048x64xf32> -> vector<2048x64xf32>
    %gt3A = arith.constant 0.000000e+00 : f32
    %gt3A_21 = vector.broadcast %gt3A : f32 to vector<2048x64xf32>
    %gt3A_22 = arith.cmpf ogt, %convert_element_type3A_18, %gt3A_21 : vector<2048x64xf32>
    %eq3A_23 = arith.constant 1.000000e+00 : f32
    %eq3A_24 = vector.broadcast %eq3A_23 : f32 to vector<2048x64xf32>
    %eq3A_25 = arith.cmpf oeq, %dot_general3A_20, %eq3A_24 : vector<2048x64xf32>
    %and3A = arith.andi %gt3A_22, %eq3A_25 : vector<2048x64xi1>
    %jit3A = arith.constant 1.000000e+00 : f32
    %jit3A_26 = arith.constant 0.000000e+00 : f32
    %broadcast_in_dim3A_27 = vector.broadcast %jit3A : f32 to vector<2048x64xf32>
    %broadcast_in_dim3A_28 = vector.broadcast %jit3A_26 : f32 to vector<2048x64xf32>
    %select_n3A = arith.select %and3A, %broadcast_in_dim3A_27, %broadcast_in_dim3A_28 : vector<2048x64xi1>, vector<2048x64xf32>
    %gt3A_29 = arith.constant 0.000000e+00 : f32
    %gt3A_30 = vector.broadcast %gt3A_29 : f32 to vector<2048x64xf32>
    %gt3A_31 = arith.cmpf ogt, %select_n3A, %gt3A_30 : vector<2048x64xf32>
    %jit3A_32 = arith.constant 0xFF800000 : f32
    %broadcast_in_dim3A_33 = vector.broadcast %jit3A_32 : f32 to vector<2048x64xf32>
    %select_n3A_34 = arith.select %gt3A_31, %broadcast_in_dim3A_33, %div3A_10 : vector<2048x64xi1>, vector<2048x64xf32>
    %reduce_max3A_35 = arith.constant dense<0xFF800000> : vector<2048xf32>
    %reduce_max3A_36 = vector.multi_reduction <maximumf>, %select_n3A_34, %reduce_max3A_35 [1] : vector<2048x64xf32> to vector<2048xf32>
    %broadcast_in_dim3A_37 = vector.shape_cast %reduce_max3A_36 : vector<2048xf32> to vector<2048x1xf32>
    %eq3A_38 = vector.broadcast %broadcast_in_dim3A_37 : vector<2048x1xf32> to vector<2048x64xf32>
    %eq3A_39 = arith.cmpf oeq, %select_n3A_34, %eq3A_38 : vector<2048x64xf32>
    %convert_element_type3A_40 = arith.extui %eq3A_39 : vector<2048x64xi1> to vector<2048x64xi32>
    %convert_element_type3A_41 = arith.sitofp %convert_element_type3A_40 : vector<2048x64xi32> to vector<2048x64xf32>
    %dot_general3A_42 = arith.constant dense<0.000000e+00> : vector<2048x64xf32>
    %dot_general3A_43 = tpu.matmul %convert_element_type3A_41, %convert_element_type3A_12, %dot_general3A_42 {dimension_numbers = #tpu.dot_dimension_numbers<[1], [0], [0], [1], [0, 0, 1, 1], [], []>, transpose_lhs_hint = false} : vector<2048x64xf32>, vector<64x64xf32>, vector<2048x64xf32> -> vector<2048x64xf32>
    %gt3A_44 = arith.constant 0.000000e+00 : f32
    %gt3A_45 = vector.broadcast %gt3A_44 : f32 to vector<2048x64xf32>
    %gt3A_46 = arith.cmpf ogt, %convert_element_type3A_41, %gt3A_45 : vector<2048x64xf32>
    %eq3A_47 = arith.constant 1.000000e+00 : f32
    %eq3A_48 = vector.broadcast %eq3A_47 : f32 to vector<2048x64xf32>
    %eq3A_49 = arith.cmpf oeq, %dot_general3A_43, %eq3A_48 : vector<2048x64xf32>
    %and3A_50 = arith.andi %gt3A_46, %eq3A_49 : vector<2048x64xi1>
    %jit3A_51 = arith.constant 1.000000e+00 : f32
    %jit3A_52 = arith.constant 0.000000e+00 : f32
    %broadcast_in_dim3A_53 = vector.broadcast %jit3A_51 : f32 to vector<2048x64xf32>
    %broadcast_in_dim3A_54 = vector.broadcast %jit3A_52 : f32 to vector<2048x64xf32>
    %select_n3A_55 = arith.select %and3A_50, %broadcast_in_dim3A_53, %broadcast_in_dim3A_54 : vector<2048x64xi1>, vector<2048x64xf32>
    %add3A = arith.addf %broadcast_in_dim3A_15, %broadcast_in_dim3A_37 : vector<2048x1xf32>
    %add3A_56 = arith.constant 9.99999968E-21 : f32
    %add3A_57 = vector.broadcast %add3A_56 : f32 to vector<2048x1xf32>
    %add3A_58 = arith.addf %add3A, %add3A_57 : vector<2048x1xf32>
    %div3A_59 = arith.divf %broadcast_in_dim3A_15, %add3A_58 : vector<2048x1xf32>
    %div3A_60 = arith.divf %broadcast_in_dim3A_37, %add3A_58 : vector<2048x1xf32>
    %concatenate3A = tpu.concatenate %div3A_59, %div3A_60 in 1 : vector<2048x1xf32>, vector<2048x1xf32> -> vector<2048x2xf32>
    %swap3A = arith.constant 0 : index
    %swap3A_61 = arith.constant 0 : index
    %swap3A_62 = vector.load %arg3[%swap3A, %swap3A_61] : memref<2048x2xf32, #tpu.memory_space<vmem>>, vector<2048x2xf32>
    tpu.vector_store %arg3[%swap3A, %swap3A_61], %concatenate3A {strides = array<i32>} : memref<2048x2xf32, #tpu.memory_space<vmem>>, vector<2048x2xf32>,
    %reduce_sum3A_63 = arith.constant dense<0.000000e+00> : vector<64xf32>
    %reduce_sum3A_64 = vector.multi_reduction <add>, %select_n3A, %reduce_sum3A_63 [0] : vector<2048x64xf32> to vector<64xf32>
    %broadcast_in_dim3A_65 = vector.shape_cast %reduce_sum3A_64 : vector<64xf32> to vector<1x64xf32>
    %reduce_sum3A_66 = arith.constant dense<0.000000e+00> : vector<64xf32>
    %reduce_sum3A_67 = vector.multi_reduction <add>, %select_n3A_55, %reduce_sum3A_66 [0] : vector<2048x64xf32> to vector<64xf32>
    %broadcast_in_dim3A_68 = vector.shape_cast %reduce_sum3A_67 : vector<64xf32> to vector<1x64xf32>
    %add3A_69 = arith.addf %broadcast_in_dim3A_65, %broadcast_in_dim3A_68 : vector<1x64xf32>
    %mul3A = arith.constant 7.812500e-03 : f32
    %mul3A_70 = vector.broadcast %mul3A : f32 to vector<1x64xf32>
    %mul3A_71 = arith.mulf %add3A_69, %mul3A_70 : vector<1x64xf32>
    %ceil3A = math.ceil %mul3A_71 : vector<1x64xf32>
    %lt3A = arith.cmpi slt, %iota3A, %iota3A_11 : vector<64x64xi32>
    %convert_element_type3A_72 = arith.extui %lt3A : vector<64x64xi1> to vector<64x64xi32>
    %convert_element_type3A_73 = arith.sitofp %convert_element_type3A_72 : vector<64x64xi32> to vector<64x64xf32>
    %dot_general3A_74 = arith.constant dense<0.000000e+00> : vector<1x64xf32>
    %dot_general3A_75 = tpu.matmul %ceil3A, %convert_element_type3A_73, %dot_general3A_74 {dimension_numbers = #tpu.dot_dimension_numbers<[1], [0], [0], [1], [0, 0, 1, 1], [], []>, transpose_lhs_hint = false} : vector<1x64xf32>, vector<64x64xf32>, vector<1x64xf32> -> vector<1x64xf32>
    %mul3A_76 = arith.constant 1.280000e+02 : f32
    %mul3A_77 = vector.broadcast %mul3A_76 : f32 to vector<1x64xf32>
    %mul3A_78 = arith.mulf %dot_general3A_75, %mul3A_77 : vector<1x64xf32>
    %iota3A_79 = tpu.iota {dimensions = array<i32: 1>} : vector<512x512xi32>
    %iota3A_80 = tpu.iota {dimensions = array<i32: 0>} : vector<512x512xi32>
    %le3A_81 = arith.cmpi sle, %iota3A_79, %iota3A_80 : vector<512x512xi32>
    %convert_element_type3A_82 = arith.extui %le3A_81 : vector<512x512xi1> to vector<512x512xi32>
    %convert_element_type3A_83 = arith.sitofp %convert_element_type3A_82 : vector<512x512xi32> to vector<512x512xf32>
    %broadcast_in_dim3A_84 = arith.constant 0.000000e+00 : f32
    %broadcast_in_dim3A_85 = vector.broadcast %broadcast_in_dim3A_84 : f32 to vector<1x64xf32>
    %slice3A = vector.extract_strided_slice %select_n3A {offsets = [0, 0], sizes = [512, 64], strides = [1, 1]} : vector<2048x64xf32> to vector<512x64xf32>
    %dot_general3A_86 = arith.constant dense<0.000000e+00> : vector<512x64xf32>
    %dot_general3A_87 = tpu.matmul %convert_element_type3A_83, %slice3A, %dot_general3A_86 {dimension_numbers = #tpu.dot_dimension_numbers<[1], [0], [0], [1], [0, 0, 1, 1], [], []>, transpose_lhs_hint = false} : vector<512x512xf32>, vector<512x64xf32>, vector<512x64xf32> -> vector<512x64xf32>
    %add3A_88 = vector.broadcast %broadcast_in_dim3A_85 : vector<1x64xf32> to vector<512x64xf32>
    %add3A_89 = arith.addf %dot_general3A_87, %add3A_88 : vector<512x64xf32>
    %sub3A_90 = arith.constant 1.000000e+00 : f32
    %sub3A_91 = vector.broadcast %sub3A_90 : f32 to vector<512x64xf32>
    %sub3A_92 = arith.subf %add3A_89, %sub3A_91 : vector<512x64xf32>
    %add3A_93 = vector.broadcast %mul3A_78 : vector<1x64xf32> to vector<512x64xf32>
    %add3A_94 = arith.addf %sub3A_92, %add3A_93 : vector<512x64xf32>
    %mul3A_95 = arith.mulf %add3A_94, %slice3A : vector<512x64xf32>
    %reduce_sum3A_96 = arith.constant dense<0.000000e+00> : vector<512xf32>
    %reduce_sum3A_97 = vector.multi_reduction <add>, %mul3A_95, %reduce_sum3A_96 [1] : vector<512x64xf32> to vector<512xf32>
    %broadcast_in_dim3A_98 = vector.shape_cast %reduce_sum3A_97 : vector<512xf32> to vector<512x1xf32>
    %round3A = math.roundeven %broadcast_in_dim3A_98 : vector<512x1xf32>
    %convert_element_type3A_99 = arith.fptosi %round3A : vector<512x1xf32> to vector<512x1xi32>
    %swap3A_100 = arith.constant 0 : index
    %swap3A_101 = arith.constant 0 : index
    %swap3A_102 = vector.load %arg2[%swap3A_100, %swap3A_101] : memref<4096x1xi32, #tpu.memory_space<vmem>>, vector<512x1xi32>
    tpu.vector_store %arg2[%swap3A_100, %swap3A_101], %convert_element_type3A_99 {strides = array<i32>} : memref<4096x1xi32, #tpu.memory_space<vmem>>, vector<512x1xi32>,
    %reduce_sum3A_103 = arith.constant dense<0.000000e+00> : vector<64xf32>
    %reduce_sum3A_104 = vector.multi_reduction <add>, %slice3A, %reduce_sum3A_103 [0] : vector<512x64xf32> to vector<64xf32>
    %broadcast_in_dim3A_105 = vector.shape_cast %reduce_sum3A_104 : vector<64xf32> to vector<1x64xf32>
    %add3A_106 = arith.addf %broadcast_in_dim3A_85, %broadcast_in_dim3A_105 : vector<1x64xf32>
    %slice3A_107 = vector.extract_strided_slice %select_n3A {offsets = [512, 0], sizes = [512, 64], strides = [1, 1]} : vector<2048x64xf32> to vector<512x64xf32>
    %dot_general3A_108 = arith.constant dense<0.000000e+00> : vector<512x64xf32>
    %dot_general3A_109 = tpu.matmul %convert_element_type3A_83, %slice3A_107, %dot_general3A_108 {dimension_numbers = #tpu.dot_dimension_numbers<[1], [0], [0], [1], [0, 0, 1, 1], [], []>, transpose_lhs_hint = false} : vector<512x512xf32>, vector<512x64xf32>, vector<512x64xf32> -> vector<512x64xf32>
    %add3A_110 = vector.broadcast %add3A_106 : vector<1x64xf32> to vector<512x64xf32>
    %add3A_111 = arith.addf %dot_general3A_109, %add3A_110 : vector<512x64xf32>
    %sub3A_112 = arith.constant 1.000000e+00 : f32
    %sub3A_113 = vector.broadcast %sub3A_112 : f32 to vector<512x64xf32>
    %sub3A_114 = arith.subf %add3A_111, %sub3A_113 : vector<512x64xf32>
    %add3A_115 = vector.broadcast %mul3A_78 : vector<1x64xf32> to vector<512x64xf32>
    %add3A_116 = arith.addf %sub3A_114, %add3A_115 : vector<512x64xf32>
    %mul3A_117 = arith.mulf %add3A_116, %slice3A_107 : vector<512x64xf32>
    %reduce_sum3A_118 = arith.constant dense<0.000000e+00> : vector<512xf32>
    %reduce_sum3A_119 = vector.multi_reduction <add>, %mul3A_117, %reduce_sum3A_118 [1] : vector<512x64xf32> to vector<512xf32>
    %broadcast_in_dim3A_120 = vector.shape_cast %reduce_sum3A_119 : vector<512xf32> to vector<512x1xf32>
    %round3A_121 = math.roundeven %broadcast_in_dim3A_120 : vector<512x1xf32>
    %convert_element_type3A_122 = arith.fptosi %round3A_121 : vector<512x1xf32> to vector<512x1xi32>
    %swap3A_123 = arith.constant 512 : index
    %swap3A_124 = arith.constant 0 : index
    %swap3A_125 = vector.load %arg2[%swap3A_123, %swap3A_124] : memref<4096x1xi32, #tpu.memory_space<vmem>>, vector<512x1xi32>
    tpu.vector_store %arg2[%swap3A_123, %swap3A_124], %convert_element_type3A_122 {strides = array<i32>} : memref<4096x1xi32, #tpu.memory_space<vmem>>, vector<512x1xi32>,
    %reduce_sum3A_126 = arith.constant dense<0.000000e+00> : vector<64xf32>
    %reduce_sum3A_127 = vector.multi_reduction <add>, %slice3A_107, %reduce_sum3A_126 [0] : vector<512x64xf32> to vector<64xf32>
    %broadcast_in_dim3A_128 = vector.shape_cast %reduce_sum3A_127 : vector<64xf32> to vector<1x64xf32>
    %add3A_129 = arith.addf %add3A_106, %broadcast_in_dim3A_128 : vector<1x64xf32>
    %slice3A_130 = vector.extract_strided_slice %select_n3A {offsets = [1024, 0], sizes = [512, 64], strides = [1, 1]} : vector<2048x64xf32> to vector<512x64xf32>
    %dot_general3A_131 = arith.constant dense<0.000000e+00> : vector<512x64xf32>
    %dot_general3A_132 = tpu.matmul %convert_element_type3A_83, %slice3A_130, %dot_general3A_131 {dimension_numbers = #tpu.dot_dimension_numbers<[1], [0], [0], [1], [0, 0, 1, 1], [], []>, transpose_lhs_hint = false} : vector<512x512xf32>, vector<512x64xf32>, vector<512x64xf32> -> vector<512x64xf32>
    %add3A_133 = vector.broadcast %add3A_129 : vector<1x64xf32> to vector<512x64xf32>
    %add3A_134 = arith.addf %dot_general3A_132, %add3A_133 : vector<512x64xf32>
    %sub3A_135 = arith.constant 1.000000e+00 : f32
    %sub3A_136 = vector.broadcast %sub3A_135 : f32 to vector<512x64xf32>
    %sub3A_137 = arith.subf %add3A_134, %sub3A_136 : vector<512x64xf32>
    %add3A_138 = vector.broadcast %mul3A_78 : vector<1x64xf32> to vector<512x64xf32>
    %add3A_139 = arith.addf %sub3A_137, %add3A_138 : vector<512x64xf32>
    %mul3A_140 = arith.mulf %add3A_139, %slice3A_130 : vector<512x64xf32>
    %reduce_sum3A_141 = arith.constant dense<0.000000e+00> : vector<512xf32>
    %reduce_sum3A_142 = vector.multi_reduction <add>, %mul3A_140, %reduce_sum3A_141 [1] : vector<512x64xf32> to vector<512xf32>
    %broadcast_in_dim3A_143 = vector.shape_cast %reduce_sum3A_142 : vector<512xf32> to vector<512x1xf32>
    %round3A_144 = math.roundeven %broadcast_in_dim3A_143 : vector<512x1xf32>
    %convert_element_type3A_145 = arith.fptosi %round3A_144 : vector<512x1xf32> to vector<512x1xi32>
    %swap3A_146 = arith.constant 1024 : index
    %swap3A_147 = arith.constant 0 : index
    %swap3A_148 = vector.load %arg2[%swap3A_146, %swap3A_147] : memref<4096x1xi32, #tpu.memory_space<vmem>>, vector<512x1xi32>
    tpu.vector_store %arg2[%swap3A_146, %swap3A_147], %convert_element_type3A_145 {strides = array<i32>} : memref<4096x1xi32, #tpu.memory_space<vmem>>, vector<512x1xi32>,
    %reduce_sum3A_149 = arith.constant dense<0.000000e+00> : vector<64xf32>
    %reduce_sum3A_150 = vector.multi_reduction <add>, %slice3A_130, %reduce_sum3A_149 [0] : vector<512x64xf32> to vector<64xf32>
    %broadcast_in_dim3A_151 = vector.shape_cast %reduce_sum3A_150 : vector<64xf32> to vector<1x64xf32>
    %add3A_152 = arith.addf %add3A_129, %broadcast_in_dim3A_151 : vector<1x64xf32>
    %slice3A_153 = vector.extract_strided_slice %select_n3A {offsets = [1536, 0], sizes = [512, 64], strides = [1, 1]} : vector<2048x64xf32> to vector<512x64xf32>
    %dot_general3A_154 = arith.constant dense<0.000000e+00> : vector<512x64xf32>
    %dot_general3A_155 = tpu.matmul %convert_element_type3A_83, %slice3A_153, %dot_general3A_154 {dimension_numbers = #tpu.dot_dimension_numbers<[1], [0], [0], [1], [0, 0, 1, 1], [], []>, transpose_lhs_hint = false} : vector<512x512xf32>, vector<512x64xf32>, vector<512x64xf32> -> vector<512x64xf32>
    %add3A_156 = vector.broadcast %add3A_152 : vector<1x64xf32> to vector<512x64xf32>
    %add3A_157 = arith.addf %dot_general3A_155, %add3A_156 : vector<512x64xf32>
    %sub3A_158 = arith.constant 1.000000e+00 : f32
    %sub3A_159 = vector.broadcast %sub3A_158 : f32 to vector<512x64xf32>
    %sub3A_160 = arith.subf %add3A_157, %sub3A_159 : vector<512x64xf32>
    %add3A_161 = vector.broadcast %mul3A_78 : vector<1x64xf32> to vector<512x64xf32>
    %add3A_162 = arith.addf %sub3A_160, %add3A_161 : vector<512x64xf32>
    %mul3A_163 = arith.mulf %add3A_162, %slice3A_153 : vector<512x64xf32>
    %reduce_sum3A_164 = arith.constant dense<0.000000e+00> : vector<512xf32>
    %reduce_sum3A_165 = vector.multi_reduction <add>, %mul3A_163, %reduce_sum3A_164 [1] : vector<512x64xf32> to vector<512xf32>
    %broadcast_in_dim3A_166 = vector.shape_cast %reduce_sum3A_165 : vector<512xf32> to vector<512x1xf32>
    %round3A_167 = math.roundeven %broadcast_in_dim3A_166 : vector<512x1xf32>
    %convert_element_type3A_168 = arith.fptosi %round3A_167 : vector<512x1xf32> to vector<512x1xi32>
    %swap3A_169 = arith.constant 1536 : index
    %swap3A_170 = arith.constant 0 : index
    %swap3A_171 = vector.load %arg2[%swap3A_169, %swap3A_170] : memref<4096x1xi32, #tpu.memory_space<vmem>>, vector<512x1xi32>
    tpu.vector_store %arg2[%swap3A_169, %swap3A_170], %convert_element_type3A_168 {strides = array<i32>} : memref<4096x1xi32, #tpu.memory_space<vmem>>, vector<512x1xi32>,
    %reduce_sum3A_172 = arith.constant dense<0.000000e+00> : vector<64xf32>
    %reduce_sum3A_173 = vector.multi_reduction <add>, %slice3A_153, %reduce_sum3A_172 [0] : vector<512x64xf32> to vector<64xf32>
    %broadcast_in_dim3A_174 = vector.shape_cast %reduce_sum3A_173 : vector<64xf32> to vector<1x64xf32>
    %add3A_175 = arith.addf %add3A_152, %broadcast_in_dim3A_174 : vector<1x64xf32>
    %slice3A_176 = vector.extract_strided_slice %select_n3A_55 {offsets = [0, 0], sizes = [512, 64], strides = [1, 1]} : vector<2048x64xf32> to vector<512x64xf32>
    %dot_general3A_177 = arith.constant dense<0.000000e+00> : vector<512x64xf32>
    %dot_general3A_178 = tpu.matmul %convert_element_type3A_83, %slice3A_176, %dot_general3A_177 {dimension_numbers = #tpu.dot_dimension_numbers<[1], [0], [0], [1], [0, 0, 1, 1], [], []>, transpose_lhs_hint = false} : vector<512x512xf32>, vector<512x64xf32>, vector<512x64xf32> -> vector<512x64xf32>
    %add3A_179 = vector.broadcast %add3A_175 : vector<1x64xf32> to vector<512x64xf32>
    %add3A_180 = arith.addf %dot_general3A_178, %add3A_179 : vector<512x64xf32>
    %sub3A_181 = arith.constant 1.000000e+00 : f32
    %sub3A_182 = vector.broadcast %sub3A_181 : f32 to vector<512x64xf32>
    %sub3A_183 = arith.subf %add3A_180, %sub3A_182 : vector<512x64xf32>
    %add3A_184 = vector.broadcast %mul3A_78 : vector<1x64xf32> to vector<512x64xf32>
    %add3A_185 = arith.addf %sub3A_183, %add3A_184 : vector<512x64xf32>
    %mul3A_186 = arith.mulf %add3A_185, %slice3A_176 : vector<512x64xf32>
    %reduce_sum3A_187 = arith.constant dense<0.000000e+00> : vector<512xf32>
    %reduce_sum3A_188 = vector.multi_reduction <add>, %mul3A_186, %reduce_sum3A_187 [1] : vector<512x64xf32> to vector<512xf32>
    %broadcast_in_dim3A_189 = vector.shape_cast %reduce_sum3A_188 : vector<512xf32> to vector<512x1xf32>
    %round3A_190 = math.roundeven %broadcast_in_dim3A_189 : vector<512x1xf32>
    %convert_element_type3A_191 = arith.fptosi %round3A_190 : vector<512x1xf32> to vector<512x1xi32>
    %swap3A_192 = arith.constant 2048 : index
    %swap3A_193 = arith.constant 0 : index
    %swap3A_194 = vector.load %arg2[%swap3A_192, %swap3A_193] : memref<4096x1xi32, #tpu.memory_space<vmem>>, vector<512x1xi32>
    tpu.vector_store %arg2[%swap3A_192, %swap3A_193], %convert_element_type3A_191 {strides = array<i32>} : memref<4096x1xi32, #tpu.memory_space<vmem>>, vector<512x1xi32>,
    %reduce_sum3A_195 = arith.constant dense<0.000000e+00> : vector<64xf32>
    %reduce_sum3A_196 = vector.multi_reduction <add>, %slice3A_176, %reduce_sum3A_195 [0] : vector<512x64xf32> to vector<64xf32>
    %broadcast_in_dim3A_197 = vector.shape_cast %reduce_sum3A_196 : vector<64xf32> to vector<1x64xf32>
    %add3A_198 = arith.addf %add3A_175, %broadcast_in_dim3A_197 : vector<1x64xf32>
    %slice3A_199 = vector.extract_strided_slice %select_n3A_55 {offsets = [512, 0], sizes = [512, 64], strides = [1, 1]} : vector<2048x64xf32> to vector<512x64xf32>
    %dot_general3A_200 = arith.constant dense<0.000000e+00> : vector<512x64xf32>
    %dot_general3A_201 = tpu.matmul %convert_element_type3A_83, %slice3A_199, %dot_general3A_200 {dimension_numbers = #tpu.dot_dimension_numbers<[1], [0], [0], [1], [0, 0, 1, 1], [], []>, transpose_lhs_hint = false} : vector<512x512xf32>, vector<512x64xf32>, vector<512x64xf32> -> vector<512x64xf32>
    %add3A_202 = vector.broadcast %add3A_198 : vector<1x64xf32> to vector<512x64xf32>
    %add3A_203 = arith.addf %dot_general3A_201, %add3A_202 : vector<512x64xf32>
    %sub3A_204 = arith.constant 1.000000e+00 : f32
    %sub3A_205 = vector.broadcast %sub3A_204 : f32 to vector<512x64xf32>
    %sub3A_206 = arith.subf %add3A_203, %sub3A_205 : vector<512x64xf32>
    %add3A_207 = vector.broadcast %mul3A_78 : vector<1x64xf32> to vector<512x64xf32>
    %add3A_208 = arith.addf %sub3A_206, %add3A_207 : vector<512x64xf32>
    %mul3A_209 = arith.mulf %add3A_208, %slice3A_199 : vector<512x64xf32>
    %reduce_sum3A_210 = arith.constant dense<0.000000e+00> : vector<512xf32>
    %reduce_sum3A_211 = vector.multi_reduction <add>, %mul3A_209, %reduce_sum3A_210 [1] : vector<512x64xf32> to vector<512xf32>
    %broadcast_in_dim3A_212 = vector.shape_cast %reduce_sum3A_211 : vector<512xf32> to vector<512x1xf32>
    %round3A_213 = math.roundeven %broadcast_in_dim3A_212 : vector<512x1xf32>
    %convert_element_type3A_214 = arith.fptosi %round3A_213 : vector<512x1xf32> to vector<512x1xi32>
    %swap3A_215 = arith.constant 2560 : index
    %swap3A_216 = arith.constant 0 : index
    %swap3A_217 = vector.load %arg2[%swap3A_215, %swap3A_216] : memref<4096x1xi32, #tpu.memory_space<vmem>>, vector<512x1xi32>
    tpu.vector_store %arg2[%swap3A_215, %swap3A_216], %convert_element_type3A_214 {strides = array<i32>} : memref<4096x1xi32, #tpu.memory_space<vmem>>, vector<512x1xi32>,
    %reduce_sum3A_218 = arith.constant dense<0.000000e+00> : vector<64xf32>
    %reduce_sum3A_219 = vector.multi_reduction <add>, %slice3A_199, %reduce_sum3A_218 [0] : vector<512x64xf32> to vector<64xf32>
    %broadcast_in_dim3A_220 = vector.shape_cast %reduce_sum3A_219 : vector<64xf32> to vector<1x64xf32>
    %add3A_221 = arith.addf %add3A_198, %broadcast_in_dim3A_220 : vector<1x64xf32>
    %slice3A_222 = vector.extract_strided_slice %select_n3A_55 {offsets = [1024, 0], sizes = [512, 64], strides = [1, 1]} : vector<2048x64xf32> to vector<512x64xf32>
    %dot_general3A_223 = arith.constant dense<0.000000e+00> : vector<512x64xf32>
    %dot_general3A_224 = tpu.matmul %convert_element_type3A_83, %slice3A_222, %dot_general3A_223 {dimension_numbers = #tpu.dot_dimension_numbers<[1], [0], [0], [1], [0, 0, 1, 1], [], []>, transpose_lhs_hint = false} : vector<512x512xf32>, vector<512x64xf32>, vector<512x64xf32> -> vector<512x64xf32>
    %add3A_225 = vector.broadcast %add3A_221 : vector<1x64xf32> to vector<512x64xf32>
    %add3A_226 = arith.addf %dot_general3A_224, %add3A_225 : vector<512x64xf32>
    %sub3A_227 = arith.constant 1.000000e+00 : f32
    %sub3A_228 = vector.broadcast %sub3A_227 : f32 to vector<512x64xf32>
    %sub3A_229 = arith.subf %add3A_226, %sub3A_228 : vector<512x64xf32>
    %add3A_230 = vector.broadcast %mul3A_78 : vector<1x64xf32> to vector<512x64xf32>
    %add3A_231 = arith.addf %sub3A_229, %add3A_230 : vector<512x64xf32>
    %mul3A_232 = arith.mulf %add3A_231, %slice3A_222 : vector<512x64xf32>
    %reduce_sum3A_233 = arith.constant dense<0.000000e+00> : vector<512xf32>
    %reduce_sum3A_234 = vector.multi_reduction <add>, %mul3A_232, %reduce_sum3A_233 [1] : vector<512x64xf32> to vector<512xf32>
    %broadcast_in_dim3A_235 = vector.shape_cast %reduce_sum3A_234 : vector<512xf32> to vector<512x1xf32>
    %round3A_236 = math.roundeven %broadcast_in_dim3A_235 : vector<512x1xf32>
    %convert_element_type3A_237 = arith.fptosi %round3A_236 : vector<512x1xf32> to vector<512x1xi32>
    %swap3A_238 = arith.constant 3072 : index
    %swap3A_239 = arith.constant 0 : index
    %swap3A_240 = vector.load %arg2[%swap3A_238, %swap3A_239] : memref<4096x1xi32, #tpu.memory_space<vmem>>, vector<512x1xi32>
    tpu.vector_store %arg2[%swap3A_238, %swap3A_239], %convert_element_type3A_237 {strides = array<i32>} : memref<4096x1xi32, #tpu.memory_space<vmem>>, vector<512x1xi32>,
    %reduce_sum3A_241 = arith.constant dense<0.000000e+00> : vector<64xf32>
    %reduce_sum3A_242 = vector.multi_reduction <add>, %slice3A_222, %reduce_sum3A_241 [0] : vector<512x64xf32> to vector<64xf32>
    %broadcast_in_dim3A_243 = vector.shape_cast %reduce_sum3A_242 : vector<64xf32> to vector<1x64xf32>
    %add3A_244 = arith.addf %add3A_221, %broadcast_in_dim3A_243 : vector<1x64xf32>
    %slice3A_245 = vector.extract_strided_slice %select_n3A_55 {offsets = [1536, 0], sizes = [512, 64], strides = [1, 1]} : vector<2048x64xf32> to vector<512x64xf32>
    %dot_general3A_246 = arith.constant dense<0.000000e+00> : vector<512x64xf32>
    %dot_general3A_247 = tpu.matmul %convert_element_type3A_83, %slice3A_245, %dot_general3A_246 {dimension_numbers = #tpu.dot_dimension_numbers<[1], [0], [0], [1], [0, 0, 1, 1], [], []>, transpose_lhs_hint = false} : vector<512x512xf32>, vector<512x64xf32>, vector<512x64xf32> -> vector<512x64xf32>
    %add3A_248 = vector.broadcast %add3A_244 : vector<1x64xf32> to vector<512x64xf32>
    %add3A_249 = arith.addf %dot_general3A_247, %add3A_248 : vector<512x64xf32>
    %sub3A_250 = arith.constant 1.000000e+00 : f32
    %sub3A_251 = vector.broadcast %sub3A_250 : f32 to vector<512x64xf32>
    %sub3A_252 = arith.subf %add3A_249, %sub3A_251 : vector<512x64xf32>
    %add3A_253 = vector.broadcast %mul3A_78 : vector<1x64xf32> to vector<512x64xf32>
    %add3A_254 = arith.addf %sub3A_252, %add3A_253 : vector<512x64xf32>
    %mul3A_255 = arith.mulf %add3A_254, %slice3A_245 : vector<512x64xf32>
    %reduce_sum3A_256 = arith.constant dense<0.000000e+00> : vector<512xf32>
    %reduce_sum3A_257 = vector.multi_reduction <add>, %mul3A_255, %reduce_sum3A_256 [1] : vector<512x64xf32> to vector<512xf32>
    %broadcast_in_dim3A_258 = vector.shape_cast %reduce_sum3A_257 : vector<512xf32> to vector<512x1xf32>
    %round3A_259 = math.roundeven %broadcast_in_dim3A_258 : vector<512x1xf32>
    %convert_element_type3A_260 = arith.fptosi %round3A_259 : vector<512x1xf32> to vector<512x1xi32>
    %swap3A_261 = arith.constant 3584 : index
    %swap3A_262 = arith.constant 0 : index
    %swap3A_263 = vector.load %arg2[%swap3A_261, %swap3A_262] : memref<4096x1xi32, #tpu.memory_space<vmem>>, vector<512x1xi32>
    tpu.vector_store %arg2[%swap3A_261, %swap3A_262], %convert_element_type3A_260 {strides = array<i32>} : memref<4096x1xi32, #tpu.memory_space<vmem>>, vector<512x1xi32>,
    %eq3A_264 = arith.cmpi eq, %iota3A, %iota3A_11 : vector<64x64xi32>
    %convert_element_type3A_265 = arith.extui %eq3A_264 : vector<64x64xi1> to vector<64x64xi32>
    %convert_element_type3A_266 = arith.sitofp %convert_element_type3A_265 : vector<64x64xi32> to vector<64x64xf32>
    %dot_general3A_267 = arith.constant dense<0.000000e+00> : vector<64x1xf32>
    %dot_general3A_268 = tpu.matmul %convert_element_type3A_266, %ceil3A, %dot_general3A_267 {dimension_numbers = #tpu.dot_dimension_numbers<[1], [1], [0], [0], [0, 0, 1, 0], [], []>, transpose_lhs_hint = false} : vector<64x64xf32>, vector<1x64xf32>, vector<64x1xf32> -> vector<64x1xf32>
    %dot_general3A_269 = arith.constant dense<0.000000e+00> : vector<64x1xf32>
    %dot_general3A_270 = tpu.matmul %convert_element_type3A_266, %dot_general3A_75, %dot_general3A_269 {dimension_numbers = #tpu.dot_dimension_numbers<[1], [1], [0], [0], [0, 0, 1, 0], [], []>, transpose_lhs_hint = false} : vector<64x64xf32>, vector<1x64xf32>, vector<64x1xf32> -> vector<64x1xf32>
    %iota3A_271 = tpu.iota {dimensions = array<i32: 1>} : vector<1x128xi32>
    %convert_element_type3A_272 = arith.sitofp %iota3A_271 : vector<1x128xi32> to vector<1x128xf32>
    %ge3A = vector.broadcast %convert_element_type3A_272 : vector<1x128xf32> to vector<64x128xf32>
    %ge3A_273 = vector.broadcast %dot_general3A_270 : vector<64x1xf32> to vector<64x128xf32>
    %ge3A_274 = arith.cmpf oge, %ge3A, %ge3A_273 : vector<64x128xf32>
    %add3A_275 = arith.addf %dot_general3A_270, %dot_general3A_268 : vector<64x1xf32>
    %lt3A_276 = vector.broadcast %convert_element_type3A_272 : vector<1x128xf32> to vector<64x128xf32>
    %lt3A_277 = vector.broadcast %add3A_275 : vector<64x1xf32> to vector<64x128xf32>
    %lt3A_278 = arith.cmpf olt, %lt3A_276, %lt3A_277 : vector<64x128xf32>
    %and3A_279 = arith.andi %ge3A_274, %lt3A_278 : vector<64x128xi1>
    %iota3A_280 = tpu.iota {dimensions = array<i32: 0>} : vector<64x1xi32>
    %convert_element_type3A_281 = arith.sitofp %iota3A_280 : vector<64x1xi32> to vector<64x1xf32>
    %jit3A_282 = arith.constant 0.000000e+00 : f32
    %broadcast_in_dim3A_283 = vector.shape_cast %convert_element_type3A_281 : vector<64x1xf32> to vector<64x1xf32>
    %broadcast_in_dim3A_284 = vector.broadcast %broadcast_in_dim3A_283 : vector<64x1xf32> to vector<64x128xf32>
    %broadcast_in_dim3A_285 = vector.broadcast %jit3A_282 : f32 to vector<64x128xf32>
    %select_n3A_286 = arith.select %and3A_279, %broadcast_in_dim3A_284, %broadcast_in_dim3A_285 : vector<64x128xi1>, vector<64x128xf32>
    %reduce_sum3A_287 = arith.constant dense<0.000000e+00> : vector<128xf32>
    %reduce_sum3A_288 = vector.multi_reduction <add>, %select_n3A_286, %reduce_sum3A_287 [0] : vector<64x128xf32> to vector<128xf32>
    %broadcast_in_dim3A_289 = vector.shape_cast %reduce_sum3A_288 : vector<128xf32> to vector<1x128xf32>
    %jit3A_290 = arith.constant 1.000000e+00 : f32
    %jit3A_291 = arith.constant 0.000000e+00 : f32
    %broadcast_in_dim3A_292 = vector.broadcast %jit3A_290 : f32 to vector<64x128xf32>
    %broadcast_in_dim3A_293 = vector.broadcast %jit3A_291 : f32 to vector<64x128xf32>
    %select_n3A_294 = arith.select %and3A_279, %broadcast_in_dim3A_292, %broadcast_in_dim3A_293 : vector<64x128xi1>, vector<64x128xf32>
    %reduce_sum3A_295 = arith.constant dense<0.000000e+00> : vector<128xf32>
    %reduce_sum3A_296 = vector.multi_reduction <add>, %select_n3A_294, %reduce_sum3A_295 [0] : vector<64x128xf32> to vector<128xf32>
    %broadcast_in_dim3A_297 = vector.shape_cast %reduce_sum3A_296 : vector<128xf32> to vector<1x128xf32>
    %reduce_sum3A_298 = vector.shape_cast %ceil3A : vector<1x64xf32> to vector<1x1x64xf32>
    %reduce_sum3A_299 = arith.constant dense<0.000000e+00> : vector<1xf32>
    %reduce_sum3A_300 = vector.multi_reduction <add>, %reduce_sum3A_298, %reduce_sum3A_299 [1, 2] : vector<1x1x64xf32> to vector<1xf32>
    %reduce_sum3A_301 = vector.shape_cast %reduce_sum3A_300 : vector<1xf32> to vector<1x1x1xf32>
    %reduce_sum3A_302 = vector.extract %reduce_sum3A_301[0, 0, 0] : f32 from vector<1x1x1xf32>
    %sub3A_303 = arith.constant 1.000000e+00 : f32
    %sub3A_304 = arith.subf %reduce_sum3A_302, %sub3A_303 : f32
    %eq3A_305 = vector.broadcast %sub3A_304 : f32 to vector<1x128xf32>
    %eq3A_306 = arith.cmpf oeq, %convert_element_type3A_272, %eq3A_305 : vector<1x128xf32>
    %jit3A_307 = arith.constant 0.000000e+00 : f32
    %broadcast_in_dim3A_308 = vector.broadcast %jit3A_307 : f32 to vector<1x128xf32>
    %select_n3A_309 = arith.select %eq3A_306, %broadcast_in_dim3A_289, %broadcast_in_dim3A_308 : vector<1x128xi1>, vector<1x128xf32>
    %reduce_sum3A_310 = arith.constant dense<0.000000e+00> : vector<1xf32>
    %reduce_sum3A_311 = vector.multi_reduction <add>, %select_n3A_309, %reduce_sum3A_310 [1] : vector<1x128xf32> to vector<1xf32>
    %broadcast_in_dim3A_312 = vector.shape_cast %reduce_sum3A_311 : vector<1xf32> to vector<1x1xf32>
    %gt3A_313 = arith.constant 0.000000e+00 : f32
    %gt3A_314 = vector.broadcast %gt3A_313 : f32 to vector<1x128xf32>
    %gt3A_315 = arith.cmpf ogt, %broadcast_in_dim3A_297, %gt3A_314 : vector<1x128xf32>
    %broadcast_in_dim3A_316 = vector.shape_cast %broadcast_in_dim3A_312 : vector<1x1xf32> to vector<1x1xf32>
    %broadcast_in_dim3A_317 = vector.broadcast %broadcast_in_dim3A_316 : vector<1x1xf32> to vector<1x128xf32>
    %select_n3A_318 = arith.select %gt3A_315, %broadcast_in_dim3A_289, %broadcast_in_dim3A_317 : vector<1x128xi1>, vector<1x128xf32>
    %sub3A_319 = arith.constant 1.000000e+00 : f32
    %sub3A_320 = arith.subf %reduce_sum3A_302, %sub3A_319 : f32
    %min3A = vector.broadcast %sub3A_320 : f32 to vector<1x128xf32>
    %min3A_321 = arith.minimumf %convert_element_type3A_272, %min3A : vector<1x128xf32>
    %round3A_322 = math.roundeven %select_n3A_318 : vector<1x128xf32>
    %convert_element_type3A_323 = arith.fptosi %round3A_322 : vector<1x128xf32> to vector<1x128xi32>
    %swap3A_324 = arith.constant 0 : index
    %swap3A_325 = arith.constant 0 : index
    %swap3A_326 = vector.load %arg4[%swap3A_324, %swap3A_325] : memref<3x128xi32, #tpu.memory_space<vmem>>, vector<1x128xi32>
    tpu.vector_store %arg4[%swap3A_324, %swap3A_325], %convert_element_type3A_323 {strides = array<i32>} : memref<3x128xi32, #tpu.memory_space<vmem>>, vector<1x128xi32>,
    %round3A_327 = math.roundeven %broadcast_in_dim3A_297 : vector<1x128xf32>
    %convert_element_type3A_328 = arith.fptosi %round3A_327 : vector<1x128xf32> to vector<1x128xi32>
    %swap3A_329 = arith.constant 1 : index
    %swap3A_330 = arith.constant 0 : index
    %swap3A_331 = vector.load %arg4[%swap3A_329, %swap3A_330] : memref<3x128xi32, #tpu.memory_space<vmem>>, vector<1x128xi32>
    tpu.vector_store %arg4[%swap3A_329, %swap3A_330], %convert_element_type3A_328 {strides = array<i32>} : memref<3x128xi32, #tpu.memory_space<vmem>>, vector<1x128xi32>,
    %round3A_332 = math.roundeven %min3A_321 : vector<1x128xf32>
    %convert_element_type3A_333 = arith.fptosi %round3A_332 : vector<1x128xf32> to vector<1x128xi32>
    %swap3A_334 = arith.constant 2 : index
    %swap3A_335 = arith.constant 0 : index
    %swap3A_336 = vector.load %arg4[%swap3A_334, %swap3A_335] : memref<3x128xi32, #tpu.memory_space<vmem>>, vector<1x128xi32>
    tpu.vector_store %arg4[%swap3A_334, %swap3A_335], %convert_element_type3A_333 {strides = array<i32>} : memref<3x128xi32, #tpu.memory_space<vmem>>, vector<1x128xi32>,
    return
  }
}

module attributes {stable_mosaic.version = 14 : i64} {
  func.func @_ffn_body(%arg0: i32, %arg1: memref<128xi32, #tpu.memory_space<smem>>, %arg2: memref<128xi32, #tpu.memory_space<smem>>, %arg3: memref<128xi32, #tpu.memory_space<smem>>, %arg4: memref<128x1024xf32, #tpu.memory_space<vmem>>, %arg5: memref<1x1x512x1024xf32, #tpu.memory_space<vmem>>, %arg6: memref<1x1x512x1024xf32, #tpu.memory_space<vmem>>, %arg7: memref<1x1x1024xf32, #tpu.memory_space<vmem>>, %arg8: memref<1x1x512x1024xf32, #tpu.memory_space<vmem>>, %arg9: memref<1x1x512x1024xf32, #tpu.memory_space<vmem>>, %arg10: memref<1x1x1024xf32, #tpu.memory_space<vmem>>, %arg11: memref<128x1024xf32, #tpu.memory_space<vmem>>) attributes {dimension_semantics = [#tpu.dimension_semantics<arbitrary>], iteration_bounds = array<i64: 96>, scalar_prefetch = 3 : i64, scratch_operands = 0 : i64, tpu.core_type = #tpu.core_type<tc>, window_params = [{transform_indices = @transform_0, window_bounds = array<i64: 128, 1024>}, {transform_indices = @transform_1, window_bounds = array<i64: 1, 1, 512, 1024>}, {transform_indices = @transform_2, window_bounds = array<i64: 1, 1, 512, 1024>}, {transform_indices = @transform_3, window_bounds = array<i64: 1, 1, 1024>}, {transform_indices = @transform_4, window_bounds = array<i64: 1, 1, 512, 1024>}, {transform_indices = @transform_5, window_bounds = array<i64: 1, 1, 512, 1024>}, {transform_indices = @transform_6, window_bounds = array<i64: 1, 1, 1024>}, {transform_indices = @transform_7, window_bounds = array<i64: 128, 1024>}]} {
    %get3A = arith.index_cast %arg0 : i32 to index
    %get3A_0 = memref.load %arg2[%get3A] : memref<128xi32, #tpu.memory_space<smem>>
    %eq3A = arith.constant 1 : i32
    %eq3A_1 = arith.cmpi eq, %get3A_0, %eq3A : i32
    %convert_element_type3A = arith.extui %eq3A_1 : i1 to i32
    %cond3A = arith.constant 0 : i32
    %cond3A_2 = arith.cmpi ne, %convert_element_type3A, %cond3A : i32
    scf.if %cond3A_2 {
      %get3A_3 = arith.constant 0 : index
      %get3A_4 = arith.constant 0 : index
      %get3A_5 = vector.load %arg4[%get3A_3, %get3A_4] : memref<128x1024xf32, #tpu.memory_space<vmem>>, vector<128x1024xf32>
      %get3A_6 = arith.constant 0 : index
      %get3A_7 = arith.constant 0 : index
      %get3A_8 = arith.constant 0 : index
      %get3A_9 = arith.constant 0 : index
      %get3A_10 = vector.load %arg5[%get3A_6, %get3A_7, %get3A_8, %get3A_9] : memref<1x1x512x1024xf32, #tpu.memory_space<vmem>>, vector<1x1x512x1024xf32>
      %get3A_11 = vector.shape_cast %get3A_10 : vector<1x1x512x1024xf32> to vector<512x1024xf32>
      %dot_general3A = arith.constant dense<0.000000e+00> : vector<128x512xf32>
      %dot_general3A_12 = tpu.matmul %get3A_5, %get3A_11, %dot_general3A {dimension_numbers = #tpu.dot_dimension_numbers<[1], [1], [0], [0], [0, 0, 1, 0], [], []>, transpose_lhs_hint = false} : vector<128x1024xf32>, vector<512x1024xf32>, vector<128x512xf32> -> vector<128x512xf32>
      %get3A_13 = arith.constant 0 : index
      %get3A_14 = arith.constant 0 : index
      %get3A_15 = arith.constant 0 : index
      %get3A_16 = arith.constant 0 : index
      %get3A_17 = vector.load %arg6[%get3A_13, %get3A_14, %get3A_15, %get3A_16] : memref<1x1x512x1024xf32, #tpu.memory_space<vmem>>, vector<1x1x512x1024xf32>
      %get3A_18 = vector.shape_cast %get3A_17 : vector<1x1x512x1024xf32> to vector<512x1024xf32>
      %dot_general3A_19 = arith.constant dense<0.000000e+00> : vector<128x512xf32>
      %dot_general3A_20 = tpu.matmul %get3A_5, %get3A_18, %dot_general3A_19 {dimension_numbers = #tpu.dot_dimension_numbers<[1], [1], [0], [0], [0, 0, 1, 0], [], []>, transpose_lhs_hint = false} : vector<128x1024xf32>, vector<512x1024xf32>, vector<128x512xf32> -> vector<128x512xf32>
      %concatenate3A = tpu.concatenate %dot_general3A_12, %dot_general3A_20 in 1 : vector<128x512xf32>, vector<128x512xf32> -> vector<128x1024xf32>
      %get3A_21 = arith.constant 0 : index
      %get3A_22 = arith.constant 0 : index
      %get3A_23 = arith.constant 0 : index
      %get3A_24 = vector.load %arg7[%get3A_21, %get3A_22, %get3A_23] : memref<1x1x1024xf32, #tpu.memory_space<vmem>>, vector<1x1x1024xf32>
      %get3A_25 = vector.shape_cast %get3A_24 : vector<1x1x1024xf32> to vector<1x1024xf32>
      %add3A = vector.broadcast %get3A_25 : vector<1x1024xf32> to vector<128x1024xf32>
      %add3A_26 = arith.addf %concatenate3A, %add3A : vector<128x1024xf32>
      %integer_pow3A = arith.mulf %add3A_26, %add3A_26 : vector<128x1024xf32>
      %integer_pow3A_27 = arith.mulf %add3A_26, %integer_pow3A : vector<128x1024xf32>
      %mul3A = arith.constant 4.471500e-02 : f32
      %mul3A_28 = vector.broadcast %mul3A : f32 to vector<128x1024xf32>
      %mul3A_29 = arith.mulf %mul3A_28, %integer_pow3A_27 : vector<128x1024xf32>
      %add3A_30 = arith.addf %add3A_26, %mul3A_29 : vector<128x1024xf32>
      %mul3A_31 = arith.constant 0.797884583 : f32
      %mul3A_32 = vector.broadcast %mul3A_31 : f32 to vector<128x1024xf32>
      %mul3A_33 = arith.mulf %mul3A_32, %add3A_30 : vector<128x1024xf32>
      %tanh3A = math.tanh %mul3A_33 : vector<128x1024xf32>
      %add3A_34 = arith.constant 1.000000e+00 : f32
      %add3A_35 = vector.broadcast %add3A_34 : f32 to vector<128x1024xf32>
      %add3A_36 = arith.addf %add3A_35, %tanh3A : vector<128x1024xf32>
      %mul3A_37 = arith.constant 5.000000e-01 : f32
      %mul3A_38 = vector.broadcast %mul3A_37 : f32 to vector<128x1024xf32>
      %mul3A_39 = arith.mulf %mul3A_38, %add3A_36 : vector<128x1024xf32>
      %mul3A_40 = arith.mulf %add3A_26, %mul3A_39 : vector<128x1024xf32>
      %get3A_41 = arith.constant 0 : index
      %get3A_42 = arith.constant 0 : index
      %get3A_43 = arith.constant 0 : index
      %get3A_44 = arith.constant 0 : index
      %get3A_45 = vector.load %arg8[%get3A_41, %get3A_42, %get3A_43, %get3A_44] : memref<1x1x512x1024xf32, #tpu.memory_space<vmem>>, vector<1x1x512x1024xf32>
      %get3A_46 = vector.shape_cast %get3A_45 : vector<1x1x512x1024xf32> to vector<512x1024xf32>
      %dot_general3A_47 = arith.constant dense<0.000000e+00> : vector<128x512xf32>
      %dot_general3A_48 = tpu.matmul %mul3A_40, %get3A_46, %dot_general3A_47 {dimension_numbers = #tpu.dot_dimension_numbers<[1], [1], [0], [0], [0, 0, 1, 0], [], []>, transpose_lhs_hint = false} : vector<128x1024xf32>, vector<512x1024xf32>, vector<128x512xf32> -> vector<128x512xf32>
      %get3A_49 = arith.constant 0 : index
      %get3A_50 = arith.constant 0 : index
      %get3A_51 = arith.constant 0 : index
      %get3A_52 = arith.constant 0 : index
      %get3A_53 = vector.load %arg9[%get3A_49, %get3A_50, %get3A_51, %get3A_52] : memref<1x1x512x1024xf32, #tpu.memory_space<vmem>>, vector<1x1x512x1024xf32>
      %get3A_54 = vector.shape_cast %get3A_53 : vector<1x1x512x1024xf32> to vector<512x1024xf32>
      %dot_general3A_55 = arith.constant dense<0.000000e+00> : vector<128x512xf32>
      %dot_general3A_56 = tpu.matmul %mul3A_40, %get3A_54, %dot_general3A_55 {dimension_numbers = #tpu.dot_dimension_numbers<[1], [1], [0], [0], [0, 0, 1, 0], [], []>, transpose_lhs_hint = false} : vector<128x1024xf32>, vector<512x1024xf32>, vector<128x512xf32> -> vector<128x512xf32>
      %concatenate3A_57 = tpu.concatenate %dot_general3A_48, %dot_general3A_56 in 1 : vector<128x512xf32>, vector<128x512xf32> -> vector<128x1024xf32>
      %get3A_58 = arith.constant 0 : index
      %get3A_59 = arith.constant 0 : index
      %get3A_60 = arith.constant 0 : index
      %get3A_61 = vector.load %arg10[%get3A_58, %get3A_59, %get3A_60] : memref<1x1x1024xf32, #tpu.memory_space<vmem>>, vector<1x1x1024xf32>
      %get3A_62 = vector.shape_cast %get3A_61 : vector<1x1x1024xf32> to vector<1x1024xf32>
      %add3A_63 = vector.broadcast %get3A_62 : vector<1x1024xf32> to vector<128x1024xf32>
      %add3A_64 = arith.addf %concatenate3A_57, %add3A_63 : vector<128x1024xf32>
      %swap3A = arith.constant 0 : index
      %swap3A_65 = arith.constant 0 : index
      %swap3A_66 = vector.load %arg11[%swap3A, %swap3A_65] : memref<128x1024xf32, #tpu.memory_space<vmem>>, vector<128x1024xf32>
      tpu.vector_store %arg11[%swap3A, %swap3A_65], %add3A_64 {strides = array<i32>} : memref<128x1024xf32, #tpu.memory_space<vmem>>, vector<128x1024xf32>,
    } else {
    }
    return
  }
  func.func @transform_0(%arg0: i32, %arg1: memref<128xi32, #tpu.memory_space<smem>>, %arg2: memref<128xi32, #tpu.memory_space<smem>>, %arg3: memref<128xi32, #tpu.memory_space<smem>>) -> (i32, i32) {
    %get3A = arith.index_cast %arg0 : i32 to index
    %get3A_0 = memref.load %arg3[%get3A] : memref<128xi32, #tpu.memory_space<smem>>
    %c0_i32 = arith.constant 0 : i32
    %c0_i32_1 = arith.constant 0 : i32
    return %get3A_0, %c0_i32 : i32, i32
  }
  func.func @transform_1(%arg0: i32, %arg1: memref<128xi32, #tpu.memory_space<smem>>, %arg2: memref<128xi32, #tpu.memory_space<smem>>, %arg3: memref<128xi32, #tpu.memory_space<smem>>) -> (i32, i32, i32, i32) {
    %get3A = arith.index_cast %arg0 : i32 to index
    %get3A_0 = memref.load %arg1[%get3A] : memref<128xi32, #tpu.memory_space<smem>>
    %c0_i32 = arith.constant 0 : i32
    %c0_i32_1 = arith.constant 0 : i32
    %c0_i32_2 = arith.constant 0 : i32
    %c0_i32_3 = arith.constant 0 : i32
    return %get3A_0, %c0_i32, %c0_i32_1, %c0_i32_2 : i32, i32, i32, i32
  }
  func.func @transform_2(%arg0: i32, %arg1: memref<128xi32, #tpu.memory_space<smem>>, %arg2: memref<128xi32, #tpu.memory_space<smem>>, %arg3: memref<128xi32, #tpu.memory_space<smem>>) -> (i32, i32, i32, i32) {
    %get3A = arith.index_cast %arg0 : i32 to index
    %get3A_0 = memref.load %arg1[%get3A] : memref<128xi32, #tpu.memory_space<smem>>
    %c1_i32 = arith.constant 1 : i32
    %c0_i32 = arith.constant 0 : i32
    %c0_i32_1 = arith.constant 0 : i32
    %c0_i32_2 = arith.constant 0 : i32
    return %get3A_0, %c1_i32, %c0_i32, %c0_i32_1 : i32, i32, i32, i32
  }
  func.func @transform_3(%arg0: i32, %arg1: memref<128xi32, #tpu.memory_space<smem>>, %arg2: memref<128xi32, #tpu.memory_space<smem>>, %arg3: memref<128xi32, #tpu.memory_space<smem>>) -> (i32, i32, i32) {
    %get3A = arith.index_cast %arg0 : i32 to index
    %get3A_0 = memref.load %arg1[%get3A] : memref<128xi32, #tpu.memory_space<smem>>
    %c0_i32 = arith.constant 0 : i32
    %c0_i32_1 = arith.constant 0 : i32
    %c0_i32_2 = arith.constant 0 : i32
    return %get3A_0, %c0_i32, %c0_i32_1 : i32, i32, i32
  }
  func.func @transform_4(%arg0: i32, %arg1: memref<128xi32, #tpu.memory_space<smem>>, %arg2: memref<128xi32, #tpu.memory_space<smem>>, %arg3: memref<128xi32, #tpu.memory_space<smem>>) -> (i32, i32, i32, i32) {
    %get3A = arith.index_cast %arg0 : i32 to index
    %get3A_0 = memref.load %arg1[%get3A] : memref<128xi32, #tpu.memory_space<smem>>
    %c0_i32 = arith.constant 0 : i32
    %c0_i32_1 = arith.constant 0 : i32
    %c0_i32_2 = arith.constant 0 : i32
    %c0_i32_3 = arith.constant 0 : i32
    return %get3A_0, %c0_i32, %c0_i32_1, %c0_i32_2 : i32, i32, i32, i32
  }
  func.func @transform_5(%arg0: i32, %arg1: memref<128xi32, #tpu.memory_space<smem>>, %arg2: memref<128xi32, #tpu.memory_space<smem>>, %arg3: memref<128xi32, #tpu.memory_space<smem>>) -> (i32, i32, i32, i32) {
    %get3A = arith.index_cast %arg0 : i32 to index
    %get3A_0 = memref.load %arg1[%get3A] : memref<128xi32, #tpu.memory_space<smem>>
    %c1_i32 = arith.constant 1 : i32
    %c0_i32 = arith.constant 0 : i32
    %c0_i32_1 = arith.constant 0 : i32
    %c0_i32_2 = arith.constant 0 : i32
    return %get3A_0, %c1_i32, %c0_i32, %c0_i32_1 : i32, i32, i32, i32
  }
  func.func @transform_6(%arg0: i32, %arg1: memref<128xi32, #tpu.memory_space<smem>>, %arg2: memref<128xi32, #tpu.memory_space<smem>>, %arg3: memref<128xi32, #tpu.memory_space<smem>>) -> (i32, i32, i32) {
    %get3A = arith.index_cast %arg0 : i32 to index
    %get3A_0 = memref.load %arg1[%get3A] : memref<128xi32, #tpu.memory_space<smem>>
    %c0_i32 = arith.constant 0 : i32
    %c0_i32_1 = arith.constant 0 : i32
    %c0_i32_2 = arith.constant 0 : i32
    return %get3A_0, %c0_i32, %c0_i32_1 : i32, i32, i32
  }
  func.func @transform_7(%arg0: i32, %arg1: memref<128xi32, #tpu.memory_space<smem>>, %arg2: memref<128xi32, #tpu.memory_space<smem>>, %arg3: memref<128xi32, #tpu.memory_space<smem>>) -> (i32, i32) {
    %get3A = arith.index_cast %arg0 : i32 to index
    %get3A_0 = memref.load %arg3[%get3A] : memref<128xi32, #tpu.memory_space<smem>>
    %c0_i32 = arith.constant 0 : i32
    %c0_i32_1 = arith.constant 0 : i32
    return %get3A_0, %c0_i32 : i32, i32
  }
}

module attributes {stable_mosaic.version = 14 : i64} {
  func.func @_mix_body(%arg0: i32, %arg1: memref<512x1024xf32, #tpu.memory_space<vmem>>, %arg2: memref<512x1024xf32, #tpu.memory_space<vmem>>, %arg3: memref<2048x2xf32, #tpu.memory_space<vmem>>, %arg4: memref<512x1024xf32, #tpu.memory_space<vmem>>) attributes {dimension_semantics = [#tpu.dimension_semantics<arbitrary>], iteration_bounds = array<i64: 4>, scalar_prefetch = 0 : i64, scratch_operands = 0 : i64, tpu.core_type = #tpu.core_type<tc>, window_params = [{transform_indices = @transform_0, window_bounds = array<i64: 512, 1024>}, {transform_indices = @transform_1, window_bounds = array<i64: 512, 1024>}, {pipeline_mode = #tpu.pipeline_mode<synchronous>, transform_indices = @transform_2, window_bounds = array<i64: 2048, 2>}, {transform_indices = @transform_3, window_bounds = array<i64: 512, 1024>}]} {
    %mul3A = arith.constant 512 : i32
    %mul3A_0 = arith.muli %arg0, %mul3A : i32
    %get3A = arith.index_cast %mul3A_0 : i32 to index
    %get3A_1 = arith.constant 0 : index
    %get3A_2 = vector.load %arg3[%get3A, %get3A_1] : memref<2048x2xf32, #tpu.memory_space<vmem>>, vector<512x2xf32>
    %get3A_3 = arith.constant 0 : index
    %get3A_4 = arith.constant 0 : index
    %get3A_5 = vector.load %arg1[%get3A_3, %get3A_4] : memref<512x1024xf32, #tpu.memory_space<vmem>>, vector<512x1024xf32>
    %slice3A = vector.extract_strided_slice %get3A_2 {offsets = [0, 0], sizes = [512, 1], strides = [1, 1]} : vector<512x2xf32> to vector<512x1xf32>
    %mul3A_6 = vector.broadcast %slice3A : vector<512x1xf32> to vector<512x1024xf32>
    %mul3A_7 = arith.mulf %get3A_5, %mul3A_6 : vector<512x1024xf32>
    %get3A_8 = arith.constant 0 : index
    %get3A_9 = arith.constant 0 : index
    %get3A_10 = vector.load %arg2[%get3A_8, %get3A_9] : memref<512x1024xf32, #tpu.memory_space<vmem>>, vector<512x1024xf32>
    %slice3A_11 = vector.extract_strided_slice %get3A_2 {offsets = [0, 1], sizes = [512, 1], strides = [1, 1]} : vector<512x2xf32> to vector<512x1xf32>
    %mul3A_12 = vector.broadcast %slice3A_11 : vector<512x1xf32> to vector<512x1024xf32>
    %mul3A_13 = arith.mulf %get3A_10, %mul3A_12 : vector<512x1024xf32>
    %add3A = arith.addf %mul3A_7, %mul3A_13 : vector<512x1024xf32>
    %swap3A = arith.constant 0 : index
    %swap3A_14 = arith.constant 0 : index
    %swap3A_15 = vector.load %arg4[%swap3A, %swap3A_14] : memref<512x1024xf32, #tpu.memory_space<vmem>>, vector<512x1024xf32>
    tpu.vector_store %arg4[%swap3A, %swap3A_14], %add3A {strides = array<i32>} : memref<512x1024xf32, #tpu.memory_space<vmem>>, vector<512x1024xf32>,
    return
  }
  func.func @transform_0(%arg0: i32) -> (i32, i32) {
    %c0_i32 = arith.constant 0 : i32
    %c0_i32_0 = arith.constant 0 : i32
    return %arg0, %c0_i32 : i32, i32
  }
  func.func @transform_1(%arg0: i32) -> (i32, i32) {
    %add3A = arith.constant 4 : i32
    %add3A_0 = arith.addi %arg0, %add3A : i32
    %c0_i32 = arith.constant 0 : i32
    %c0_i32_1 = arith.constant 0 : i32
    return %add3A_0, %c0_i32 : i32, i32
  }
  func.func @transform_2(%arg0: i32) -> (i32, i32) {
    %c0_i32 = arith.constant 0 : i32
    %c0_i32_0 = arith.constant 0 : i32
    %c0_i32_1 = arith.constant 0 : i32
    return %c0_i32, %c0_i32_0 : i32, i32
  }
  func.func @transform_3(%arg0: i32) -> (i32, i32) {
    %c0_i32 = arith.constant 0 : i32
    %c0_i32_0 = arith.constant 0 : i32
    return %arg0, %c0_i32 : i32, i32
  }
}

</mosaic_0001>

<sc_bundles>
// kernel: kernel.10.cloned.1.call-start
scs
__scs_entry_jumppad:
0x0: {  	(pc) =	sbr.rel $0x88, $3  }
0x1: {  	(tag) =	ssettag $0x0;
	lr =	simm.s32 $0x1  }
0x2: {  	[smem:$0x3F9B] =	sst lr;
	_ =	strace $0xD0000000  }
0x3: {  	_ = 	snop  }
0x4: {  	_ = 	snop  }
0x5: {  	_ = 	snop  }
0x6: {  	_ = 	snop  }
0x7: {  	_ = 	snop  }
__scs_overlays_trampoline_lowered:
0x8: {  	[smem:$0x3FAA] =	sst s0  }
0x9: {  	[smem:$0x3FAB] =	sst s1  }
0xa: {  	[smem:$0x3FAC] =	sst s2  }
0xb: {  	[smem:$0x3FAD] =	sst s3  }
0xc: {  	[smem:$0x3FAE] =	sst s4  }
0xd: {  	[smem:$0x3FAF] =	sst s5  }
0xe: {  	[smem:$0x3FB0] =	sst s6  }
0xf: {  	[smem:$0x3FB1] =	sst s7  }
0x10: {  	[smem:$0x3FB2] =	sst s8  }
0x11: {  	[smem:$0x3FB3] =	sst s9;
	s0 =	simm.s32 @!p0 $0x0  }
0x12: {  	s1 =	sld [smem:$0x3F99];
	s0 =	simm.s32 @p0 $0x1  }
0x13: {  	[smem:$0x3FB4] =	sst s0;
	s0 =	simm.s32 @!p1 $0x0  }
0x14: {  	s2 =	sld [smem:$0x3F98];
	s0 =	simm.s32 @p1 $0x1  }
0x15: {  	[smem:$0x3FB5] =	sst s0;
	s0 =	simm.s32 @!p2 $0x0  }
0x16: {  	s3 =	sld [smem:$0x3FDB];
	s0 =	simm.s32 @p2 $0x1  }
0x17: {  	s4 =	simm.s32 $0x1BF5;
	[smem:$0x3FB7] =	sst s0  }
0x18: {  	s0 =	sld [smem:$0x3F9A];
	_ =	swait.ge [sflag:s4], $0x0  }
0x19: {  	s7 =	sld [smem:$0x3F9B]  }
0x1a: {  	s8 =	sadd.s32 $0xFFFFE003, lr  }
0x1b: {  	s9 =	sadd.s32 $0xFFFFFEF7, lr;
	s5 =	simm.s32 $0xFFFFFFFF;
	p2 =	slt.u32 s8, $0xFFFFF086  }
0x1c: {  	p1 =	slt.u32 s9, $0xF7A;
	s5 =	simm.s32 @!p2 $0x0  }
0x1d: {  	s5 =	simm.s32 @p1 $0x1;
	p0 =	seq.s32 s7, s2  }
0x1e: {  	s7 =	smul.u32 @!p0 $0xF7A, s2;
	p2 =	seq.s32 @!p0 s5, $0x0  }
0x1f: {  	s9 =	smul.u32 $0xF7A, s1;
	s8 =	simm.s32 @!p0 $0x1BF5;
	p2 =	por !p2, p0  }
0x20: {  	[sflag:s8] =	ssyncset.s32 @!p0 $0xFFFFF086;
	s6 =	sadd.s32 @!p0 s3, s7;
	s7 =	simm.s32 @!p0 $0x108  }
0x21: {  	s3 =	sadd.s32 s3, s9;
	s6 =	sadd.s32 @!p0 $0x88, s6;
	s7 =	simm.s32 @p2 $0x1082  }
0x22: {  	[simem:s7], [sflag:s8] =	dma.local @!p0 [hbm:s6], $0xF7A  }
0x23: {  	s9 =	sor.u32 $0xD0000000, s2;
	s6 =	simm.s32 $0x108;
	_ =	swait.ge @!p0 [sflag:s8], $0x0  }
0x24: {  	s3 =	sadd.s32 $0x88, s3;
	s6 =	simm.s32 @!p1 $0x1082;
	[sflag:s4] =	ssyncset.s32 $0xFFFFF086  }
0x25: {  	[simem:s6], [sflag:s4] =	dma.local [hbm:s3], $0xF7A  }
0x26: {  	[smem:$0x3F9B] =	sst s1;
	(tag) =	ssettag s2;
	_ =	strace s9  }
0x27: {  	s1 =	sld [smem:$0x3FAB]  }
0x28: {  	s2 =	sld [smem:$0x3FAC]  }
0x29: {  	s4 =	sld [smem:$0x3FAE]  }
0x2a: {  	p0 =	seq.s32 s5, $0x0;
	s5 =	sld [smem:$0x3FAF]  }
0x2b: {  	s6 =	sld [smem:$0x3FB0]  }
0x2c: {  	s7 =	sld [smem:$0x3FB1]  }
0x2d: {  	s3 =	simm.s32 $0x108;
	s8 =	sld [smem:$0x3FB2]  }
0x2e: {  	s3 =	simm.s32 @!p0 $0x1082;
	s9 =	sld [smem:$0x3FB3]  }
0x2f: {  	lr =	sadd.s32 s0, s3;
	s0 =	sld [smem:$0x3FAA]  }
0x30: {  	s3 =	sld [smem:$0x3FAD]  }
0x31: {  	[smem:$0x3FB6] =	sst s10  }
0x32: {  	s10 =	sld [smem:$0x3FB4];
	_ =	sdelay $0x3  }
0x33: {  	p0 =	seq.s32 s10, $0x1;
	s10 =	sld [smem:$0x3FB6];
	_ =	sdelay $0x3  }
0x34: {  	[smem:$0x3FB6] =	sst s10  }
0x35: {  	s10 =	sld [smem:$0x3FB5];
	_ =	sdelay $0x3  }
0x36: {  	p1 =	seq.s32 s10, $0x1;
	s10 =	sld [smem:$0x3FB6];
	_ =	sdelay $0x3  }
0x37: {  	[smem:$0x3FB6] =	sst s10  }
0x38: {  	s10 =	sld [smem:$0x3FB7]  }
0x39: {  	_ = 	snop;
	(pc) =	sbr.ind lr, $3  }
0x3a: {  	_ = 	snop  }
0x3b: {  	_ = 	snop  }
0x3c: {  	p2 =	seq.s32 s10, $0x1;
	s10 =	sld [smem:$0x3FB6]  }
0x3d: {  	_ =	shalt  }
0x3e: {  	_ =	shalt  }
0x3f: {  	_ =	shalt  }
0x40: {  	_ =	shalt  }
0x41: {  	_ =	shalt  }
0x42: {  	_ =	shalt  }
0x43: {  	_ =	shalt  }
0x44: {  	_ =	shalt  }
0x45: {  	_ =	shalt  }
0x46: {  	_ =	shalt  }
0x47: {  	_ =	shalt  }
0x48: {  	_ =	shalt  }
0x49: {  	_ =	shalt  }
0x4a: {  	_ =	shalt  }
0x4b: {  	_ =	shalt  }
0x4c: {  	_ =	shalt  }
0x4d: {  	_ =	shalt  }
0x4e: {  	_ =	shalt  }
0x4f: {  	_ =	shalt  }
0x50: {  	_ =	shalt  }
0x51: {  	_ =	shalt  }
0x52: {  	_ =	shalt  }
0x53: {  	_ =	shalt  }
0x54: {  	_ =	shalt  }
0x55: {  	_ =	shalt  }
0x56: {  	_ =	shalt  }
0x57: {  	_ =	shalt  }
0x58: {  	_ =	shalt  }
0x59: {  	_ =	shalt  }
0x5a: {  	_ =	shalt  }
0x5b: {  	_ =	shalt  }
0x5c: {  	_ =	shalt  }
0x5d: {  	_ =	shalt  }
0x5e: {  	_ =	shalt  }
0x5f: {  	_ =	shalt  }
0x60: {  	_ =	shalt  }
0x61: {  	_ =	shalt  }
0x62: {  	_ =	shalt  }
0x63: {  	_ =	shalt  }
0x64: {  	_ =	shalt  }
0x65: {  	_ =	shalt  }
0x66: {  	_ =	shalt  }
0x67: {  	_ =	shalt  }
0x68: {  	_ =	shalt  }
0x69: {  	_ =	shalt  }
0x6a: {  	_ =	shalt  }
0x6b: {  	_ =	shalt  }
0x6c: {  	_ =	shalt  }
0x6d: {  	_ =	shalt  }
0x6e: {  	_ =	shalt  }
0x6f: {  	_ =	shalt  }
0x70: {  	_ =	shalt  }
0x71: {  	_ =	shalt  }
0x72: {  	_ =	shalt  }
0x73: {  	_ =	shalt  }
0x74: {  	_ =	shalt  }
0x75: {  	_ =	shalt  }
0x76: {  	_ =	shalt  }
0x77: {  	_ =	shalt  }
0x78: {  	_ =	shalt  }
0x79: {  	_ =	shalt  }
0x7a: {  	_ =	shalt  }
0x7b: {  	_ =	shalt  }
0x7c: {  	_ =	shalt  }
0x7d: {  	_ =	shalt  }
0x7e: {  	_ =	shalt  }
0x7f: {  	_ =	shalt  }
0x80: {  	_ =	shalt  }
0x81: {  	_ =	shalt  }
0x82: {  	_ =	shalt  }
0x83: {  	_ =	shalt  }
0x84: {  	_ =	shalt  }
0x85: {  	_ =	shalt  }
0x86: {  	_ =	shalt  }
0x87: {  	_ =	shalt  }
.Lfunc_end0:
.L_simem_size_0:
called_computation.1_lowered:
.L_overlay_start_0:
0x88: {  	s2 =	sld [smem:$0x3FD9]  }
0x89: {  	s3 =	sld [smem:$0x3FFE];
	_ =	sdelay $0x1  }
0x8a: {  	s1 =	srdreg.scid  }
0x8b: {  	s0 =	sand.u32 $0x1, s1  }
0x8c: {  	s16 =	sshll.u32 s0, $0xA;
	s2 =	sadd.s32 s3, s2  }
0x8d: {  	s2 =	sadd.s32 s2, s16  }
0x8e: {  	[smem:$0x3FC2] =	sst s2  }
0x8f: {  	_ = 	snop  }
0x90: {  	(tm) =	ssettm $0x1  }
0x91: {  	s17 =	sld [smem:$0x3FFB];
	_ =	sdelay $0x3  }
0x92: {  	_ =	strace s17  }
0x93: {  	s2 =	sld [smem:$0x3FFC];
	_ =	sdelay $0x3  }
0x94: {  	_ =	strace s2  }
0x95: {  	s2 =	sld [smem:$0x3FFD];
	_ =	sdelay $0x3  }
0x96: {  	_ =	strace s2  }
0x97: {  	_ =	strace $0x8FFFFFFF  }
0x98: {  	s18 =	sld [smem:$0x3FDB];
	_ =	sdelay $0x1  }
0x99: {  	s19 =	simm.s32 $_scs_section_size  }
0x9a: {  	s4 =	simm.s32 $_size__tile_overlayer_lowered;
	s5 =	simm.s32 $_tile_overlayer_lowered  }
0x9b: {  	s22 =	simm.s32 $0x1BFF;
	s21 =	sshll.u32 s5, $0x1;
	s2 =	sadd.s32 s19, s18  }
0x9c: {  	s6 =	simm.s32 $0x0;
	s20 =	sshll.u32 s4, $0x1;
	s4 =	sadd.s32 s21, s2  }
0x9d: {  	[timem:s6], [sflag:s22] =	dma.local [hbm:s4], s20  }
0x9e: {  	_ =	swait.ge [sflag:s22], s20  }
0x9f: {  	s3 =	ssub.s32 $0x0, s20;
	[sflag:s22] =	ssyncset.done $0x0  }
0xa0: {  	[sflag:s22] =	ssyncadd.s32 s3;
	_ =	sdelay $0x1  }
0xa1: {  	s23 =	simm.s32 $0x1B8B  }
0xa2: {  	_ =	swait.ge [sflag:s23], $0x1  }
0xa3: {  	[sflag:s23] =	ssyncset.done $0x0  }
0xa4: {  	s25 =	simm.s32 $0x1B8E;
	s24 =	sld [smem:$0x3FFE];
	[sflag:s23] =	ssyncadd.s32 $0xFFFFFFFF  }
0xa5: {  	s26 =	simm.s32 $execute0_lowered;
	[smem:$0x3FD2] =	sst s25  }
0xa6: {  	s4 =	sshll.u32 s26, $0x1;
	_ =	strace $0x80000049;
	[dreg:$0x1] =	wrdreg $0xFFFFFFFF  }
0xa7: {  	s28 =	simm.s32 $_size_execute0_lowered;
	s2 =	sadd.s32 s2, s4;
	[dreg:$0x0] =	wrdreg $0x0  }
0xa8: {  	s4 =	sshll.u32 s28, $0x1;
	[dreg:$0x2] =	wrdreg s2  }
0xa9: {  	[dreg:$0x3] =	wrdreg s4  }
0xaa: {  	[dreg:$0x4] =	wrdreg $0xC0  }
0xab: {  	_ =	task [dreg:s6], $0x5FFFF  }
0xac: {  	[dreg:$0x1] =	wrdreg $0xFFFFFFFF  }
0xad: {  	[dreg:$0x0] =	wrdreg $0x60  }
0xae: {  	[dreg:$0x2] =	wrdreg s24  }
0xaf: {  	[dreg:$0x3] =	wrdreg $0x9  }
0xb0: {  	_ =	task.clear_ibuf [dreg:s6], $0x4FFFF;
	_ =	strace $0x90000049  }
0xb1: {  	s29 =	simm.s32 $0x9;
	_ =	strace $0x8000004B  }
0xb2: {  	_ =	swait.ge [sflag:s29], $0x1  }
0xb3: {  	[sflag:s29] =	ssyncadd.s32 $0xFFFFFFFF  }
0xb4: {  	_ =	strace $0x9000004B  }
0xb5: {  	_ =	sfence  }
0xb6: {  	s30 =	sld [smem:$0x0];
	_ =	sdelay $0x2  }
0xb7: {  	s31 =	sshll.u32 s1, $0xD;
	s1 =	sshrl.u32 s1, $0x2  }
0xb8: {  	s3 =	sand.u32 $0x4000, s31;
	s1 =	sadd.s32 s1, s30  }
0xb9: {  	s0 =	sor.u32 s3, s0;
	s1 =	sshll.u32 s1, $0x11  }
0xba: {  	s0 =	sor.u32 s1, s0  }
0xbb: {  	s0 =	sadd.s32 $0x8F2B, s0  }
0xbc: {  	[sflag:s0] =	ssyncadd.remote.s32 $0x1  }
0xbd: {  	_ =	sfence.sel $0xFFFF  }
0xbe: {  	[dreg:$0x0] =	wrdreg $0xFFFFFFFF;
	(pc) =	sbr.abs _section_cstart, $3  }
0xbf: {  	[dreg:$0x1] =	wrdreg $0xFFFFFFFF  }
0xc0: {  	_ =	task.clear_ibuf [dreg:s6], $0x2FFFF;
	_ =	strace $0x9FFFFFFF  }
0xc1: {  	(tm) =	ssettm $0x7FFFFFFF  }
tec
execute0_lowered:
.L_overlay_start_1:
0x0: {  	(tag) =	ssettag $0x1  }
0x1: {  	s1 =	srdreg.scid;
	s0 =	stileid.u32  }
0x2: {  	s1 =	sand.u32 $0x1, s1;
	s2 =	sshll.u32 s0, $0x1  }
0x3: {  	s6 =	rddreg [dreg:$0x0];
	s3 =	sor.u32 s1, s2;
	s2 =	simm.s32 $0x0  }
0x4: {  	s26 =	simm.s32 $0x8A00;
	[smem:$0x7FF] =	sst s2  }
0x5: {  	s28 =	simm.s32 $0x9200;
	_ =	strace $0x8000004A;
	[dreg:$0x7] =	wrdreg s26  }
0x6: {  	s5 =	simm.s32 $0xA200;
	s0 =	simm.s32 $0x9A00;
	[dreg:$0x8] =	wrdreg s28  }
0x7: {  	s7 =	simm.s32 $0xAA00;
	s8 =	simm.s32 $0xB200;
	[dreg:$0x9] =	wrdreg s0  }
0x8: {  	s9 =	simm.s32 $0xBA00;
	s10 =	simm.s32 $0xCA00;
	[dreg:$0xa] =	wrdreg s5  }
0x9: {  	s11 =	simm.s32 $0xDA00;
	s12 =	simm.s32 $0xE200;
	[dreg:$0xb] =	wrdreg s7  }
0xa: {  	s13 =	simm.s32 $0xEA00;
	s14 =	simm.s32 $0xF200;
	[dreg:$0xc] =	wrdreg s8  }
0xb: {  	s15 =	simm.s32 $0xFA00;
	s16 =	simm.s32 $0x10A00;
	[dreg:$0xd] =	wrdreg s9  }
0xc: {  	s17 =	simm.s32 $0x11200;
	s18 =	simm.s32 $0x11A00;
	[dreg:$0xf] =	wrdreg s10  }
0xd: {  	s19 =	simm.s32 $0x12200;
	s20 =	simm.s32 $0x12A00;
	[dreg:$0x11] =	wrdreg s11  }
0xe: {  	s21 =	simm.s32 $0x13200;
	s22 =	simm.s32 $0x13A00;
	[dreg:$0x12] =	wrdreg s12  }
0xf: {  	s29 =	simm.s32 $0x17200;
	s30 =	simm.s32 $0x17A00;
	[dreg:$0x13] =	wrdreg s13  }
0x10: {  	s31 =	simm.s32 $0x1;
	s1 =	ssub.s32 $0x2, s1;
	[dreg:$0x14] =	wrdreg s14  }
0x11: {  	s4 =	sshll.u32 s3, $0x6;
	s3 =	sshll.u32 s3, $0xE;
	[dreg:$0x15] =	wrdreg s15  }
0x12: {  	s4 =	sadd.s32 s4, s6;
	s3 =	sadd.s32 s3, s6;
	[dreg:$0x16] =	wrdreg s16  }
0x13: {  	s5 =	sshrl.u32 s1, $0x1;
	s7 =	simm.s32 $0xC200;
	[dreg:$0x17] =	wrdreg s17  }
0x14: {  	s8 =	simm.s32 $0xD200;
	s9 =	simm.s32 $0x200;
	[dreg:$0x18] =	wrdreg s18  }
0x15: {  	s10 =	simm.s32 $0xA00;
	s11 =	simm.s32 $0x1200;
	[dreg:$0x19] =	wrdreg s19  }
0x16: {  	s12 =	simm.s32 $0x1A00;
	s13 =	simm.s32 $0x2200;
	[dreg:$0x1a] =	wrdreg s20  }
0x17: {  	s14 =	simm.s32 $0x2A00;
	s15 =	simm.s32 $0x3200;
	[dreg:$0x1b] =	wrdreg s21  }
0x18: {  	s16 =	simm.s32 $0x3A00;
	s17 =	simm.s32 $0x4200;
	[dreg:$0x1c] =	wrdreg s22  }
0x19: {  	s18 =	simm.s32 $0x4A00;
	s19 =	simm.s32 $0x5200;
	[dreg:$0xe] =	wrdreg s7  }
0x1a: {  	s20 =	simm.s32 $0x5A00;
	s26 =	simm.s32 $0x15A00;
	[dreg:$0x10] =	wrdreg s8  }
0x1b: {  	s21 =	simm.s32 $0x6200;
	s28 =	simm.s32 $0x16200;
	[smem:$0x7FC] =	sst s26  }
0x1c: {  	s22 =	simm.s32 $0x6A00;
	s4 =	sadd.s32 $0x1600, s4;
	[smem:$0x7FD] =	sst s28  }
0x1d: {  	s23 =	sadd.s32 $0x1E00, s3;
	s24 =	sadd.s32 $0x2E00, s3;
	[dreg:$0x2] =	wrdreg s4  }
0x1e: {  	s25 =	sadd.s32 $0x3E00, s3;
	s3 =	sadd.s32 $0x4E00, s3;
	[dreg:$0x3] =	wrdreg s23  }
0x1f: {  	s1 =	ssub.s32 s1, s5;
	s5 =	sadd.s32 $0x182000, s6;
	[dreg:$0x4] =	wrdreg s24  }
0x20: {  	s8 =	simm.s32 $0x3;
	s26 =	simm.s32 $0x10200;
	[dreg:$0x5] =	wrdreg s25  }
0x21: {  	[dreg:$0x6] =	wrdreg s3;
	s3 =	sadd.s32 $0x181E00, s6;
	s23 =	simm.s32 $0x14200  }
0x22: {  	s4 =	sadd.s32 $0x181F00, s6;
	s24 =	simm.s32 $0x14A00;
	[dreg:$0x1d] =	wrdreg s23  }
0x23: {  	v2 =	vlaneseq.u32;
	s6 =	sadd.s32 $0x182100, s6;
	s25 =	simm.s32 $0x15200;
	[dreg:$0x1e] =	wrdreg s24  }
0x24: {  	vm0 =	vmmov $0xffff;
	v1 =	vshrl.u32 v2, $0x3;
	s7 =	smax.u32 s1, $0x1;
	s1 =	simm.s32 $0x2;
	[dreg:$0x1f] =	wrdreg s25  }
0x25: {  	v0 =	vand.u32 $0x7, v2;
	v2 =	vor.u32 $0x8, v2;
	v1 =	vmul.u32 $0x8, v1;
	s23 =	simm.s32 $0x7200;
	s24 =	simm.s32 $0x7A00;
	s25 =	simm.s32 $0x8200  }
.LBB2_1:
0x26: {  	s0 =	rddreg [dreg:$0x2]  }
0x27: {  	[tilespmem:s2], [sflag:$0x3] =	stream.linear.gather [hbm4b:s0+s2], $0x200, $0x38;
	[tilespmem:$0x18200] =	vst v63  }
0x28: {  	_ =	swait.ge [sflag:s8], $0x200  }
0x29: {  	[sflag:s8] =	ssyncset.done $0x0  }
0x2a: {  	[sflag:s8] =	ssyncadd.s32 $0xFFFFFE00  }
0x2b: {  	v3 =	vld [tilespmem:$0x0];
	_ =	sdelay $0x4  }
0x2c: {  	v4 =	vshll.u32 v3, $0x3  }
0x2d: {  	v3 =	vand.u32 $0x7, v3;
	v4 =	vand.u32 $0xFFFFFFC0, v4  }
0x2e: {  	v3 =	vor.u32 v3, v4  }
0x2f: {  	v4 =	vperm.xlane v3, v0;
	_ =	sdelay $0x1  }
0x30: {  	v4 =	vadd.s32 v1, v4;
	_ =	sdelay $0x4  }
0x31: {  	[tilespmem:s9], [sflag:$0x1] =	stream.indirect_vreg.gather [hbm4b:s3+s2], $0x80, v4, vm0, $0xb8;
	[tilespmem:$0x18200] =	vst v63  }
0x32: {  	v3 =	vperm.xlane v3, v2  }
0x33: {  	[tilespmem:s10], [sflag:$0x1] =	stream.indirect_vreg.gather [hbm4b:s4+s2], $0x80, v4, vm0, $0xb8;
	[tilespmem:$0x18200] =	vst v63  }
0x34: {  	v3 =	vadd.s32 v1, v3  }
0x35: {  	[tilespmem:s11], [sflag:$0x1] =	stream.indirect_vreg.gather [hbm4b:s5+s2], $0x80, v4, vm0, $0xb8;
	[tilespmem:$0x18200] =	vst v63  }
0x36: {  	_ = 	snop  }
0x37: {  	[tilespmem:s12], [sflag:$0x1] =	stream.indirect_vreg.gather [hbm4b:s6+s2], $0x80, v4, vm0, $0xb8;
	[tilespmem:$0x18200] =	vst v63  }
0x38: {  	_ = 	snop  }
0x39: {  	[tilespmem:s13], [sflag:$0x1] =	stream.indirect_vreg.gather [hbm4b:s3+s2], $0x80, v3, vm0, $0xb8;
	[tilespmem:$0x18200] =	vst v63  }
0x3a: {  	_ = 	snop  }
0x3b: {  	[tilespmem:s14], [sflag:$0x1] =	stream.indirect_vreg.gather [hbm4b:s4+s2], $0x80, v3, vm0, $0xb8;
	[tilespmem:$0x18200] =	vst v63  }
0x3c: {  	_ = 	snop  }
0x3d: {  	[tilespmem:s15], [sflag:$0x1] =	stream.indirect_vreg.gather [hbm4b:s5+s2], $0x80, v3, vm0, $0xb8;
	[tilespmem:$0x18200] =	vst v63  }
0x3e: {  	_ = 	snop  }
0x3f: {  	[tilespmem:s16], [sflag:$0x1] =	stream.indirect_vreg.gather [hbm4b:s6+s2], $0x80, v3, vm0, $0xb8;
	[tilespmem:$0x18200] =	vst v63  }
0x40: {  	v3 =	vld [tilespmem:$0x10];
	_ =	sdelay $0x4  }
0x41: {  	v57 =	vshll.u32 v3, $0x3  }
0x42: {  	v3 =	vand.u32 $0x7, v3;
	v4 =	vand.u32 $0xFFFFFFC0, v57  }
0x43: {  	v3 =	vor.u32 v3, v4  }
0x44: {  	v4 =	vperm.xlane v3, v0;
	_ =	sdelay $0x1  }
0x45: {  	v4 =	vadd.s32 v1, v4;
	_ =	sdelay $0x4  }
0x46: {  	[tilespmem:s17], [sflag:$0x1] =	stream.indirect_vreg.gather [hbm4b:s3+s2], $0x80, v4, vm0, $0xb8;
	[tilespmem:$0x18200] =	vst v63  }
0x47: {  	v3 =	vperm.xlane v3, v2  }
0x48: {  	[tilespmem:s18], [sflag:$0x1] =	stream.indirect_vreg.gather [hbm4b:s4+s2], $0x80, v4, vm0, $0xb8;
	[tilespmem:$0x18200] =	vst v63  }
0x49: {  	v3 =	vadd.s32 v1, v3  }
0x4a: {  	[tilespmem:s19], [sflag:$0x1] =	stream.indirect_vreg.gather [hbm4b:s5+s2], $0x80, v4, vm0, $0xb8;
	[tilespmem:$0x18200] =	vst v63  }
0x4b: {  	_ = 	snop  }
0x4c: {  	[tilespmem:s20], [sflag:$0x1] =	stream.indirect_vreg.gather [hbm4b:s6+s2], $0x80, v4, vm0, $0xb8;
	[tilespmem:$0x18200] =	vst v63  }
0x4d: {  	_ = 	snop  }
0x4e: {  	[tilespmem:s21], [sflag:$0x1] =	stream.indirect_vreg.gather [hbm4b:s3+s2], $0x80, v3, vm0, $0xb8;
	[tilespmem:$0x18200] =	vst v63  }
0x4f: {  	_ = 	snop  }
0x50: {  	[tilespmem:s22], [sflag:$0x1] =	stream.indirect_vreg.gather [hbm4b:s4+s2], $0x80, v3, vm0, $0xb8;
	[tilespmem:$0x18200] =	vst v63  }
0x51: {  	_ = 	snop  }
0x52: {  	[tilespmem:s23], [sflag:$0x1] =	stream.indirect_vreg.gather [hbm4b:s5+s2], $0x80, v3, vm0, $0xb8;
	[tilespmem:$0x18200] =	vst v63  }
0x53: {  	_ = 	snop  }
0x54: {  	[tilespmem:s24], [sflag:$0x1] =	stream.indirect_vreg.gather [hbm4b:s6+s2], $0x80, v3, vm0, $0xb8;
	[tilespmem:$0x18200] =	vst v63  }
0x55: {  	v3 =	vld [tilespmem:$0x80];
	_ =	sdelay $0x4  }
0x56: {  	v58 =	vshll.u32 v3, $0x3  }
0x57: {  	v3 =	vand.u32 $0x7, v3;
	v4 =	vand.u32 $0xFFFFFFC0, v58  }
0x58: {  	v3 =	vor.u32 v3, v4  }
0x59: {  	v4 =	vperm.xlane v3, v0;
	_ =	sdelay $0x1  }
0x5a: {  	v4 =	vadd.s32 v1, v4;
	_ =	sdelay $0x4  }
0x5b: {  	[tilespmem:s25], [sflag:$0x1] =	stream.indirect_vreg.gather [hbm4b:s3+s2], $0x80, v4, vm0, $0xb8;
	[tilespmem:$0x18200] =	vst v63  }
0x5c: {  	s0 =	rddreg [dreg:$0x7];
	v3 =	vperm.xlane v3, v2  }
0x5d: {  	[tilespmem:s0], [sflag:$0x1] =	stream.indirect_vreg.gather [hbm4b:s4+s2], $0x80, v4, vm0, $0xb8;
	[tilespmem:$0x18200] =	vst v63  }
0x5e: {  	s28 =	rddreg [dreg:$0x8];
	v3 =	vadd.s32 v1, v3  }
0x5f: {  	[tilespmem:s28], [sflag:$0x1] =	stream.indirect_vreg.gather [hbm4b:s5+s2], $0x80, v4, vm0, $0xb8;
	[tilespmem:$0x18200] =	vst v63  }
0x60: {  	s0 =	rddreg [dreg:$0x9]  }
0x61: {  	[tilespmem:s0], [sflag:$0x1] =	stream.indirect_vreg.gather [hbm4b:s6+s2], $0x80, v4, vm0, $0xb8;
	[tilespmem:$0x18200] =	vst v63  }
0x62: {  	s28 =	rddreg [dreg:$0xa]  }
0x63: {  	[tilespmem:s28], [sflag:$0x1] =	stream.indirect_vreg.gather [hbm4b:s3+s2], $0x80, v3, vm0, $0xb8;
	[tilespmem:$0x18200] =	vst v63  }
0x64: {  	s0 =	rddreg [dreg:$0xb]  }
0x65: {  	[tilespmem:s0], [sflag:$0x1] =	stream.indirect_vreg.gather [hbm4b:s4+s2], $0x80, v3, vm0, $0xb8;
	[tilespmem:$0x18200] =	vst v63  }
0x66: {  	s28 =	rddreg [dreg:$0xc]  }
0x67: {  	[tilespmem:s28], [sflag:$0x1] =	stream.indirect_vreg.gather [hbm4b:s5+s2], $0x80, v3, vm0, $0xb8;
	[tilespmem:$0x18200] =	vst v63  }
0x68: {  	s0 =	rddreg [dreg:$0xd]  }
0x69: {  	[tilespmem:s0], [sflag:$0x1] =	stream.indirect_vreg.gather [hbm4b:s6+s2], $0x80, v3, vm0, $0xb8;
	[tilespmem:$0x18200] =	vst v63  }
0x6a: {  	v3 =	vld [tilespmem:$0x90];
	_ =	sdelay $0x4  }
0x6b: {  	v59 =	vshll.u32 v3, $0x3  }
0x6c: {  	v3 =	vand.u32 $0x7, v3;
	v4 =	vand.u32 $0xFFFFFFC0, v59  }
0x6d: {  	v3 =	vor.u32 v3, v4  }
0x6e: {  	v4 =	vperm.xlane v3, v0;
	_ =	sdelay $0x1  }
0x6f: {  	v4 =	vadd.s32 v1, v4;
	_ =	sdelay $0x3  }
0x70: {  	s0 =	rddreg [dreg:$0xe]  }
0x71: {  	[tilespmem:s0], [sflag:$0x1] =	stream.indirect_vreg.gather [hbm4b:s3+s2], $0x80, v4, vm0, $0xb8;
	[tilespmem:$0x18200] =	vst v63  }
0x72: {  	s28 =	rddreg [dreg:$0xf];
	v3 =	vperm.xlane v3, v2  }
0x73: {  	[tilespmem:s28], [sflag:$0x1] =	stream.indirect_vreg.gather [hbm4b:s4+s2], $0x80, v4, vm0, $0xb8;
	[tilespmem:$0x18200] =	vst v63  }
0x74: {  	v3 =	vadd.s32 v1, v3;
	s0 =	rddreg [dreg:$0x10]  }
0x75: {  	[tilespmem:s0], [sflag:$0x1] =	stream.indirect_vreg.gather [hbm4b:s5+s2], $0x80, v4, vm0, $0xb8;
	[tilespmem:$0x18200] =	vst v63  }
0x76: {  	s28 =	rddreg [dreg:$0x11]  }
0x77: {  	[tilespmem:s28], [sflag:$0x1] =	stream.indirect_vreg.gather [hbm4b:s6+s2], $0x80, v4, vm0, $0xb8;
	[tilespmem:$0x18200] =	vst v63  }
0x78: {  	s0 =	rddreg [dreg:$0x12]  }
0x79: {  	[tilespmem:s0], [sflag:$0x1] =	stream.indirect_vreg.gather [hbm4b:s3+s2], $0x80, v3, vm0, $0xb8;
	[tilespmem:$0x18200] =	vst v63  }
0x7a: {  	s28 =	rddreg [dreg:$0x13]  }
0x7b: {  	[tilespmem:s28], [sflag:$0x1] =	stream.indirect_vreg.gather [hbm4b:s4+s2], $0x80, v3, vm0, $0xb8;
	[tilespmem:$0x18200] =	vst v63  }
0x7c: {  	s0 =	rddreg [dreg:$0x14]  }
0x7d: {  	[tilespmem:s0], [sflag:$0x1] =	stream.indirect_vreg.gather [hbm4b:s5+s2], $0x80, v3, vm0, $0xb8;
	[tilespmem:$0x18200] =	vst v63  }
0x7e: {  	s28 =	rddreg [dreg:$0x15]  }
0x7f: {  	[tilespmem:s28], [sflag:$0x1] =	stream.indirect_vreg.gather [hbm4b:s6+s2], $0x80, v3, vm0, $0xb8;
	[tilespmem:$0x18200] =	vst v63  }
0x80: {  	v3 =	vld [tilespmem:$0x100];
	_ =	sdelay $0x4  }
0x81: {  	v60 =	vshll.u32 v3, $0x3  }
0x82: {  	v3 =	vand.u32 $0x7, v3;
	v4 =	vand.u32 $0xFFFFFFC0, v60  }
0x83: {  	v3 =	vor.u32 v3, v4  }
0x84: {  	v4 =	vperm.xlane v3, v0;
	_ =	sdelay $0x1  }
0x85: {  	v4 =	vadd.s32 v1, v4;
	_ =	sdelay $0x4  }
0x86: {  	[tilespmem:s26], [sflag:$0x1] =	stream.indirect_vreg.gather [hbm4b:s3+s2], $0x80, v4, vm0, $0xb8;
	[tilespmem:$0x18200] =	vst v63  }
0x87: {  	s0 =	rddreg [dreg:$0x16];
	v3 =	vperm.xlane v3, v2  }
0x88: {  	[tilespmem:s0], [sflag:$0x1] =	stream.indirect_vreg.gather [hbm4b:s4+s2], $0x80, v4, vm0, $0xb8;
	[tilespmem:$0x18200] =	vst v63  }
0x89: {  	s28 =	rddreg [dreg:$0x17];
	v3 =	vadd.s32 v1, v3  }
0x8a: {  	[tilespmem:s28], [sflag:$0x1] =	stream.indirect_vreg.gather [hbm4b:s5+s2], $0x80, v4, vm0, $0xb8;
	[tilespmem:$0x18200] =	vst v63  }
0x8b: {  	s0 =	rddreg [dreg:$0x18]  }
0x8c: {  	[tilespmem:s0], [sflag:$0x1] =	stream.indirect_vreg.gather [hbm4b:s6+s2], $0x80, v4, vm0, $0xb8;
	[tilespmem:$0x18200] =	vst v63  }
0x8d: {  	s28 =	rddreg [dreg:$0x19]  }
0x8e: {  	[tilespmem:s28], [sflag:$0x1] =	stream.indirect_vreg.gather [hbm4b:s3+s2], $0x80, v3, vm0, $0xb8;
	[tilespmem:$0x18200] =	vst v63  }
0x8f: {  	s0 =	rddreg [dreg:$0x1a]  }
0x90: {  	[tilespmem:s0], [sflag:$0x1] =	stream.indirect_vreg.gather [hbm4b:s4+s2], $0x80, v3, vm0, $0xb8;
	[tilespmem:$0x18200] =	vst v63  }
0x91: {  	s28 =	rddreg [dreg:$0x1b]  }
0x92: {  	[tilespmem:s28], [sflag:$0x1] =	stream.indirect_vreg.gather [hbm4b:s5+s2], $0x80, v3, vm0, $0xb8;
	[tilespmem:$0x18200] =	vst v63  }
0x93: {  	s0 =	rddreg [dreg:$0x1c]  }
0x94: {  	[tilespmem:s0], [sflag:$0x1] =	stream.indirect_vreg.gather [hbm4b:s6+s2], $0x80, v3, vm0, $0xb8;
	[tilespmem:$0x18200] =	vst v63  }
0x95: {  	v3 =	vld [tilespmem:$0x110];
	_ =	sdelay $0x4  }
0x96: {  	v61 =	vshll.u32 v3, $0x3  }
0x97: {  	v3 =	vand.u32 $0x7, v3;
	v4 =	vand.u32 $0xFFFFFFC0, v61  }
0x98: {  	v3 =	vor.u32 v3, v4  }
0x99: {  	v4 =	vperm.xlane v3, v0;
	_ =	sdelay $0x1  }
0x9a: {  	v4 =	vadd.s32 v1, v4;
	_ =	sdelay $0x2  }
0x9b: {  	s28 =	rddreg [dreg:$0x1e]  }
0x9c: {  	s0 =	rddreg [dreg:$0x1d]  }
0x9d: {  	[tilespmem:s0], [sflag:$0x1] =	stream.indirect_vreg.gather [hbm4b:s3+s2], $0x80, v4, vm0, $0xb8;
	[tilespmem:$0x18200] =	vst v63  }
0x9e: {  	v3 =	vperm.xlane v3, v2;
	s0 =	rddreg [dreg:$0x1f]  }
0x9f: {  	[tilespmem:s28], [sflag:$0x1] =	stream.indirect_vreg.gather [hbm4b:s4+s2], $0x80, v4, vm0, $0xb8;
	[tilespmem:$0x18200] =	vst v63  }
0xa0: {  	v3 =	vadd.s32 v1, v3;
	s28 =	sld [smem:$0x7FC]  }
0xa1: {  	[tilespmem:s0], [sflag:$0x1] =	stream.indirect_vreg.gather [hbm4b:s5+s2], $0x80, v4, vm0, $0xb8;
	[tilespmem:$0x18200] =	vst v63  }
0xa2: {  	s0 =	sld [smem:$0x7FD]  }
0xa3: {  	[tilespmem:s28], [sflag:$0x1] =	stream.indirect_vreg.gather [hbm4b:s6+s2], $0x80, v4, vm0, $0xb8;
	[tilespmem:$0x18200] =	vst v63  }
0xa4: {  	_ = 	snop  }
0xa5: {  	[tilespmem:s0], [sflag:$0x1] =	stream.indirect_vreg.gather [hbm4b:s3+s2], $0x80, v3, vm0, $0xb8;
	[tilespmem:$0x18200] =	vst v63  }
0xa6: {  	s28 =	simm.s32 $0x16A00  }
0xa7: {  	[tilespmem:s28], [sflag:$0x1] =	stream.indirect_vreg.gather [hbm4b:s4+s2], $0x80, v3, vm0, $0xb8;
	[tilespmem:$0x18200] =	vst v63  }
0xa8: {  	_ = 	snop  }
0xa9: {  	[tilespmem:s29], [sflag:$0x1] =	stream.indirect_vreg.gather [hbm4b:s5+s2], $0x80, v3, vm0, $0xb8;
	[tilespmem:$0x18200] =	vst v63  }
0xaa: {  	_ = 	snop  }
0xab: {  	[tilespmem:s30], [sflag:$0x1] =	stream.indirect_vreg.gather [hbm4b:s6+s2], $0x80, v3, vm0, $0xb8;
	[tilespmem:$0x18200] =	vst v63  }
0xac: {  	_ =	swait.ge [sflag:s31], $0x8000  }
0xad: {  	[sflag:s31] =	ssyncset.done $0x0  }
0xae: {  	s28 =	rddreg [dreg:$0x3];
	[sflag:s31] =	ssyncadd.s32 $0xFFFF8000  }
0xaf: {  	[hbm4b:s28+s2] =	stream.linear.scatter [tilespmem:s9], [sflag:$0x2], $0x8000, $0x38;
	[tilespmem:$0x18200] =	vst v63  }
0xb0: {  	_ =	swait.ge [sflag:s1], $0x8000  }
0xb1: {  	[sflag:s1] =	ssyncset.done $0x0  }
0xb2: {  	[sflag:s1] =	ssyncadd.s32 $0xFFFF8000  }
0xb3: {  	v3 =	vld [tilespmem:$0x180];
	_ =	sdelay $0x4  }
0xb4: {  	v62 =	vshll.u32 v3, $0x3  }
0xb5: {  	v3 =	vand.u32 $0x7, v3;
	v4 =	vand.u32 $0xFFFFFFC0, v62  }
0xb6: {  	v3 =	vor.u32 v3, v4  }
0xb7: {  	v4 =	vperm.xlane v3, v0;
	_ =	sdelay $0x1  }
0xb8: {  	v4 =	vadd.s32 v1, v4;
	_ =	sdelay $0x4  }
0xb9: {  	[tilespmem:s9], [sflag:$0x1] =	stream.indirect_vreg.gather [hbm4b:s3+s2], $0x80, v4, vm0, $0xb8;
	[tilespmem:$0x18200] =	vst v63  }
0xba: {  	v3 =	vperm.xlane v3, v2  }
0xbb: {  	[tilespmem:s10], [sflag:$0x1] =	stream.indirect_vreg.gather [hbm4b:s4+s2], $0x80, v4, vm0, $0xb8;
	[tilespmem:$0x18200] =	vst v63  }
0xbc: {  	v3 =	vadd.s32 v1, v3  }
0xbd: {  	[tilespmem:s11], [sflag:$0x1] =	stream.indirect_vreg.gather [hbm4b:s5+s2], $0x80, v4, vm0, $0xb8;
	[tilespmem:$0x18200] =	vst v63  }
0xbe: {  	_ = 	snop  }
0xbf: {  	[tilespmem:s12], [sflag:$0x1] =	stream.indirect_vreg.gather [hbm4b:s6+s2], $0x80, v4, vm0, $0xb8;
	[tilespmem:$0x18200] =	vst v63  }
0xc0: {  	_ = 	snop  }
0xc1: {  	[tilespmem:s13], [sflag:$0x1] =	stream.indirect_vreg.gather [hbm4b:s3+s2], $0x80, v3, vm0, $0xb8;
	[tilespmem:$0x18200] =	vst v63  }
0xc2: {  	_ = 	snop  }
0xc3: {  	[tilespmem:s14], [sflag:$0x1] =	stream.indirect_vreg.gather [hbm4b:s4+s2], $0x80, v3, vm0, $0xb8;
	[tilespmem:$0x18200] =	vst v63  }
0xc4: {  	_ = 	snop  }
0xc5: {  	[tilespmem:s15], [sflag:$0x1] =	stream.indirect_vreg.gather [hbm4b:s5+s2], $0x80, v3, vm0, $0xb8;
	[tilespmem:$0x18200] =	vst v63  }
0xc6: {  	_ = 	snop  }
0xc7: {  	[tilespmem:s16], [sflag:$0x1] =	stream.indirect_vreg.gather [hbm4b:s6+s2], $0x80, v3, vm0, $0xb8;
	[tilespmem:$0x18200] =	vst v63  }
0xc8: {  	v3 =	vld [tilespmem:$0x190];
	_ =	sdelay $0x4  }
0xc9: {  	v63 =	vshll.u32 v3, $0x3  }
0xca: {  	v3 =	vand.u32 $0x7, v3;
	v4 =	vand.u32 $0xFFFFFFC0, v63  }
0xcb: {  	v3 =	vor.u32 v3, v4  }
0xcc: {  	v4 =	vperm.xlane v3, v0;
	_ =	sdelay $0x1  }
0xcd: {  	v4 =	vadd.s32 v1, v4;
	_ =	sdelay $0x4  }
0xce: {  	[tilespmem:s17], [sflag:$0x1] =	stream.indirect_vreg.gather [hbm4b:s3+s2], $0x80, v4, vm0, $0xb8;
	[tilespmem:$0x18200] =	vst v63  }
0xcf: {  	v3 =	vperm.xlane v3, v2  }
0xd0: {  	[tilespmem:s18], [sflag:$0x1] =	stream.indirect_vreg.gather [hbm4b:s4+s2], $0x80, v4, vm0, $0xb8;
	[tilespmem:$0x18200] =	vst v63  }
0xd1: {  	v3 =	vadd.s32 v1, v3  }
0xd2: {  	[tilespmem:s19], [sflag:$0x1] =	stream.indirect_vreg.gather [hbm4b:s5+s2], $0x80, v4, vm0, $0xb8;
	[tilespmem:$0x18200] =	vst v63  }
0xd3: {  	_ = 	snop  }
0xd4: {  	[tilespmem:s20], [sflag:$0x1] =	stream.indirect_vreg.gather [hbm4b:s6+s2], $0x80, v4, vm0, $0xb8;
	[tilespmem:$0x18200] =	vst v63  }
0xd5: {  	_ = 	snop  }
0xd6: {  	[tilespmem:s21], [sflag:$0x1] =	stream.indirect_vreg.gather [hbm4b:s3+s2], $0x80, v3, vm0, $0xb8;
	[tilespmem:$0x18200] =	vst v63  }
0xd7: {  	_ = 	snop  }
0xd8: {  	[tilespmem:s22], [sflag:$0x1] =	stream.indirect_vreg.gather [hbm4b:s4+s2], $0x80, v3, vm0, $0xb8;
	[tilespmem:$0x18200] =	vst v63  }
0xd9: {  	_ = 	snop  }
0xda: {  	[tilespmem:s23], [sflag:$0x1] =	stream.indirect_vreg.gather [hbm4b:s5+s2], $0x80, v3, vm0, $0xb8;
	[tilespmem:$0x18200] =	vst v63  }
0xdb: {  	_ = 	snop  }
0xdc: {  	[tilespmem:s24], [sflag:$0x1] =	stream.indirect_vreg.gather [hbm4b:s6+s2], $0x80, v3, vm0, $0xb8;
	[tilespmem:$0x18200] =	vst v63  }
0xdd: {  	_ =	swait.ge [sflag:s31], $0x8000  }
0xde: {  	[sflag:s31] =	ssyncset.done $0x0  }
0xdf: {  	s28 =	rddreg [dreg:$0x4];
	[sflag:s31] =	ssyncadd.s32 $0xFFFF8000  }
0xe0: {  	[hbm4b:s28+s2] =	stream.linear.scatter [tilespmem:s25], [sflag:$0x2], $0x8000, $0x38;
	[tilespmem:$0x18200] =	vst v63  }
0xe1: {  	_ =	swait.ge [sflag:s31], $0x8000  }
0xe2: {  	[sflag:s31] =	ssyncset.done $0x0  }
0xe3: {  	s28 =	rddreg [dreg:$0x5];
	[sflag:s31] =	ssyncadd.s32 $0xFFFF8000  }
0xe4: {  	[hbm4b:s28+s2] =	stream.linear.scatter [tilespmem:s26], [sflag:$0x2], $0x8000, $0x38;
	[tilespmem:$0x18200] =	vst v63  }
0xe5: {  	_ =	swait.ge [sflag:s31], $0x8000  }
0xe6: {  	[sflag:s31] =	ssyncset.done $0x0  }
0xe7: {  	s28 =	rddreg [dreg:$0x6];
	[sflag:s31] =	ssyncadd.s32 $0xFFFF8000  }
0xe8: {  	[hbm4b:s28+s2] =	stream.linear.scatter [tilespmem:s9], [sflag:$0x2], $0x8000, $0x38;
	[tilespmem:$0x18200] =	vst v63  }
0xe9: {  	_ =	swait.ge [sflag:s1], $0x8000  }
0xea: {  	[sflag:s1] =	ssyncset.done $0x0  }
0xeb: {  	[sflag:s1] =	ssyncadd.s32 $0xFFFF8000  }
0xec: {  	p0 =	sne.s32 s7, $0x1;
	_ =	swait.ge [sflag:s1], $0x8000  }
.Ltmp0:
0xed: {  	[sflag:s1] =	ssyncset.done $0x0;
	(pc) =	sbr.rel @p0 .LBB2_1-.Ltmp0, $4  }
0xee: {  	[sflag:s1] =	ssyncadd.s32 $0xFFFF8000  }
0xef: {  	_ =	swait.ge [sflag:s1], $0x8000  }
0xf0: {  	[sflag:s1] =	ssyncset.done $0x0  }
0xf1: {  	s7 =	sadd.s32 $0xFFFFFFFF, s7;
	[sflag:s1] =	ssyncadd.s32 $0xFFFF8000  }
0xf2: {  	_ =	sfence.sel $0x180000  }
0xf3: {  	[bflag:$0x0] =	sbarrier.arrive $0xFFFF  }
0xf4: {  	_ =	strace $0x9000004A  }
0xf5: {  	s0 =	stileid.u32;
	[bflag:$0x2] =	sbarrier.arrive $0xFFFF  }
0xf6: {  	p0 =	sne.s32 s0, $0x0;
	s0 =	rddreg [dreg:$0x1]  }
0xf7: {  	s0 =	sadd.s32 @!p0 $0x100000, s0  }
0xf8: {  	[sflag:s0] =	ssyncadd.tile.s32 @!p0 $0x1;
	_ =	shalt  }
.Lfunc_end2:
_tile_overlayer_lowered:
.L_overlay_start_2:
0xf9: {  	(tag) =	ssettag $0x2  }
0xfa: {  	s0 =	rddreg [dreg:$0x0];
	s2 =	stileid.u32  }
0xfb: {  	s1 =	rddreg [dreg:$0x1];
	p0 =	sne.s32 s2, $0x0  }
0xfc: {  	s3 =	rddreg [dreg:$0x2];
	[bflag:$0x3] =	sbarrier.arrive $0xFFFF;
	s2 =	simm.s32 @!p0 $0x1C03  }
0xfd: {  	[timem:s3], [sflag:s2] =	dma.local @!p0 [hbm:s0], s1  }
0xfe: {  	s0 =	simm.s32 @!p0 $0x3  }
0xff: {  	_ =	swait.ge @!p0 [sflag:s0], s1  }
0x100: {  	s1 =	ssub.s32 @!p0 $0x0, s1;
	[sflag:s0] =	ssyncset.done @!p0 $0x0  }
0x101: {  	[sflag:s0] =	ssyncadd.s32 @!p0 s1  }
0x102: {  	[bflag:$0x3] =	sbarrier.arrive $0xFFFF  }
0x103: {  	_ =	shalt  }

// kernel: kernel.7.cloned.1.call-start
scs
__scs_entry_jumppad:
0x0: {  	(pc) =	sbr.rel $0x88, $3  }
0x1: {  	(tag) =	ssettag $0x0;
	lr =	simm.s32 $0x1  }
0x2: {  	[smem:$0x3F9B] =	sst lr;
	_ =	strace $0xD0000000  }
0x3: {  	_ = 	snop  }
0x4: {  	_ = 	snop  }
0x5: {  	_ = 	snop  }
0x6: {  	_ = 	snop  }
0x7: {  	_ = 	snop  }
__scs_overlays_trampoline_lowered:
0x8: {  	[smem:$0x3FAA] =	sst s0  }
0x9: {  	[smem:$0x3FAB] =	sst s1  }
0xa: {  	[smem:$0x3FAC] =	sst s2  }
0xb: {  	[smem:$0x3FAD] =	sst s3  }
0xc: {  	[smem:$0x3FAE] =	sst s4  }
0xd: {  	[smem:$0x3FAF] =	sst s5  }
0xe: {  	[smem:$0x3FB0] =	sst s6  }
0xf: {  	[smem:$0x3FB1] =	sst s7  }
0x10: {  	[smem:$0x3FB2] =	sst s8  }
0x11: {  	[smem:$0x3FB3] =	sst s9;
	s0 =	simm.s32 @!p0 $0x0  }
0x12: {  	s1 =	sld [smem:$0x3F99];
	s0 =	simm.s32 @p0 $0x1  }
0x13: {  	[smem:$0x3FB4] =	sst s0;
	s0 =	simm.s32 @!p1 $0x0  }
0x14: {  	s2 =	sld [smem:$0x3F98];
	s0 =	simm.s32 @p1 $0x1  }
0x15: {  	[smem:$0x3FB5] =	sst s0;
	s0 =	simm.s32 @!p2 $0x0  }
0x16: {  	s3 =	sld [smem:$0x3FDB];
	s0 =	simm.s32 @p2 $0x1  }
0x17: {  	s4 =	simm.s32 $0x1BF5;
	[smem:$0x3FB7] =	sst s0  }
0x18: {  	s0 =	sld [smem:$0x3F9A];
	_ =	swait.ge [sflag:s4], $0x0  }
0x19: {  	s7 =	sld [smem:$0x3F9B]  }
0x1a: {  	s8 =	sadd.s32 $0xFFFFE003, lr  }
0x1b: {  	s9 =	sadd.s32 $0xFFFFFEF7, lr;
	s5 =	simm.s32 $0xFFFFFFFF;
	p2 =	slt.u32 s8, $0xFFFFF086  }
0x1c: {  	p1 =	slt.u32 s9, $0xF7A;
	s5 =	simm.s32 @!p2 $0x0  }
0x1d: {  	s5 =	simm.s32 @p1 $0x1;
	p0 =	seq.s32 s7, s2  }
0x1e: {  	s7 =	smul.u32 @!p0 $0xF7A, s2;
	p2 =	seq.s32 @!p0 s5, $0x0  }
0x1f: {  	s9 =	smul.u32 $0xF7A, s1;
	s8 =	simm.s32 @!p0 $0x1BF5;
	p2 =	por !p2, p0  }
0x20: {  	[sflag:s8] =	ssyncset.s32 @!p0 $0xFFFFF086;
	s6 =	sadd.s32 @!p0 s3, s7;
	s7 =	simm.s32 @!p0 $0x108  }
0x21: {  	s3 =	sadd.s32 s3, s9;
	s6 =	sadd.s32 @!p0 $0x88, s6;
	s7 =	simm.s32 @p2 $0x1082  }
0x22: {  	[simem:s7], [sflag:s8] =	dma.local @!p0 [hbm:s6], $0xF7A  }
0x23: {  	s9 =	sor.u32 $0xD0000000, s2;
	s6 =	simm.s32 $0x108;
	_ =	swait.ge @!p0 [sflag:s8], $0x0  }
0x24: {  	s3 =	sadd.s32 $0x88, s3;
	s6 =	simm.s32 @!p1 $0x1082;
	[sflag:s4] =	ssyncset.s32 $0xFFFFF086  }
0x25: {  	[simem:s6], [sflag:s4] =	dma.local [hbm:s3], $0xF7A  }
0x26: {  	[smem:$0x3F9B] =	sst s1;
	(tag) =	ssettag s2;
	_ =	strace s9  }
0x27: {  	s1 =	sld [smem:$0x3FAB]  }
0x28: {  	s2 =	sld [smem:$0x3FAC]  }
0x29: {  	s4 =	sld [smem:$0x3FAE]  }
0x2a: {  	p0 =	seq.s32 s5, $0x0;
	s5 =	sld [smem:$0x3FAF]  }
0x2b: {  	s6 =	sld [smem:$0x3FB0]  }
0x2c: {  	s7 =	sld [smem:$0x3FB1]  }
0x2d: {  	s3 =	simm.s32 $0x108;
	s8 =	sld [smem:$0x3FB2]  }
0x2e: {  	s3 =	simm.s32 @!p0 $0x1082;
	s9 =	sld [smem:$0x3FB3]  }
0x2f: {  	lr =	sadd.s32 s0, s3;
	s0 =	sld [smem:$0x3FAA]  }
0x30: {  	s3 =	sld [smem:$0x3FAD]  }
0x31: {  	[smem:$0x3FB6] =	sst s10  }
0x32: {  	s10 =	sld [smem:$0x3FB4];
	_ =	sdelay $0x3  }
0x33: {  	p0 =	seq.s32 s10, $0x1;
	s10 =	sld [smem:$0x3FB6];
	_ =	sdelay $0x3  }
0x34: {  	[smem:$0x3FB6] =	sst s10  }
0x35: {  	s10 =	sld [smem:$0x3FB5];
	_ =	sdelay $0x3  }
0x36: {  	p1 =	seq.s32 s10, $0x1;
	s10 =	sld [smem:$0x3FB6];
	_ =	sdelay $0x3  }
0x37: {  	[smem:$0x3FB6] =	sst s10  }
0x38: {  	s10 =	sld [smem:$0x3FB7]  }
0x39: {  	_ = 	snop;
	(pc) =	sbr.ind lr, $3  }
0x3a: {  	_ = 	snop  }
0x3b: {  	_ = 	snop  }
0x3c: {  	p2 =	seq.s32 s10, $0x1;
	s10 =	sld [smem:$0x3FB6]  }
0x3d: {  	_ =	shalt  }
0x3e: {  	_ =	shalt  }
0x3f: {  	_ =	shalt  }
0x40: {  	_ =	shalt  }
0x41: {  	_ =	shalt  }
0x42: {  	_ =	shalt  }
0x43: {  	_ =	shalt  }
0x44: {  	_ =	shalt  }
0x45: {  	_ =	shalt  }
0x46: {  	_ =	shalt  }
0x47: {  	_ =	shalt  }
0x48: {  	_ =	shalt  }
0x49: {  	_ =	shalt  }
0x4a: {  	_ =	shalt  }
0x4b: {  	_ =	shalt  }
0x4c: {  	_ =	shalt  }
0x4d: {  	_ =	shalt  }
0x4e: {  	_ =	shalt  }
0x4f: {  	_ =	shalt  }
0x50: {  	_ =	shalt  }
0x51: {  	_ =	shalt  }
0x52: {  	_ =	shalt  }
0x53: {  	_ =	shalt  }
0x54: {  	_ =	shalt  }
0x55: {  	_ =	shalt  }
0x56: {  	_ =	shalt  }
0x57: {  	_ =	shalt  }
0x58: {  	_ =	shalt  }
0x59: {  	_ =	shalt  }
0x5a: {  	_ =	shalt  }
0x5b: {  	_ =	shalt  }
0x5c: {  	_ =	shalt  }
0x5d: {  	_ =	shalt  }
0x5e: {  	_ =	shalt  }
0x5f: {  	_ =	shalt  }
0x60: {  	_ =	shalt  }
0x61: {  	_ =	shalt  }
0x62: {  	_ =	shalt  }
0x63: {  	_ =	shalt  }
0x64: {  	_ =	shalt  }
0x65: {  	_ =	shalt  }
0x66: {  	_ =	shalt  }
0x67: {  	_ =	shalt  }
0x68: {  	_ =	shalt  }
0x69: {  	_ =	shalt  }
0x6a: {  	_ =	shalt  }
0x6b: {  	_ =	shalt  }
0x6c: {  	_ =	shalt  }
0x6d: {  	_ =	shalt  }
0x6e: {  	_ =	shalt  }
0x6f: {  	_ =	shalt  }
0x70: {  	_ =	shalt  }
0x71: {  	_ =	shalt  }
0x72: {  	_ =	shalt  }
0x73: {  	_ =	shalt  }
0x74: {  	_ =	shalt  }
0x75: {  	_ =	shalt  }
0x76: {  	_ =	shalt  }
0x77: {  	_ =	shalt  }
0x78: {  	_ =	shalt  }
0x79: {  	_ =	shalt  }
0x7a: {  	_ =	shalt  }
0x7b: {  	_ =	shalt  }
0x7c: {  	_ =	shalt  }
0x7d: {  	_ =	shalt  }
0x7e: {  	_ =	shalt  }
0x7f: {  	_ =	shalt  }
0x80: {  	_ =	shalt  }
0x81: {  	_ =	shalt  }
0x82: {  	_ =	shalt  }
0x83: {  	_ =	shalt  }
0x84: {  	_ =	shalt  }
0x85: {  	_ =	shalt  }
0x86: {  	_ =	shalt  }
0x87: {  	_ =	shalt  }
.Lfunc_end0:
.L_simem_size_0:
called_computation_lowered:
.L_overlay_start_0:
0x88: {  	s2 =	sld [smem:$0x3FD9]  }
0x89: {  	s3 =	sld [smem:$0x3FFE];
	_ =	sdelay $0x1  }
0x8a: {  	s1 =	srdreg.scid  }
0x8b: {  	s0 =	sand.u32 $0x1, s1  }
0x8c: {  	s17 =	sshll.u32 s0, $0xA;
	s2 =	sadd.s32 s3, s2  }
0x8d: {  	s2 =	sadd.s32 s2, s17  }
0x8e: {  	[smem:$0x3FC2] =	sst s2  }
0x8f: {  	_ = 	snop  }
0x90: {  	s2 =	sld [smem:$0x3FC9];
	(tm) =	ssettm $0x1  }
0x91: {  	s18 =	sld [smem:$0x3FFB];
	_ =	sdelay $0x3  }
0x92: {  	_ =	strace s18  }
0x93: {  	s3 =	sld [smem:$0x3FFC];
	_ =	sdelay $0x3  }
0x94: {  	_ =	strace s3  }
0x95: {  	s3 =	sld [smem:$0x3FFD];
	_ =	sdelay $0x3  }
0x96: {  	_ =	strace s3  }
0x97: {  	_ =	strace $0x8FFFFFFF  }
0x98: {  	s19 =	sld [smem:$0x3FDB];
	_ =	sdelay $0x1  }
0x99: {  	s4 =	simm.s32 $_scs_section_size  }
0x9a: {  	s5 =	simm.s32 $_size__tile_overlayer_lowered;
	s6 =	simm.s32 $_tile_overlayer_lowered  }
0x9b: {  	s22 =	simm.s32 $0x1BFF;
	s21 =	sshll.u32 s6, $0x1;
	s3 =	sadd.s32 s4, s19  }
0x9c: {  	s7 =	simm.s32 $0x0;
	s20 =	sshll.u32 s5, $0x1;
	s5 =	sadd.s32 s21, s3  }
0x9d: {  	[timem:s7], [sflag:s22] =	dma.local [hbm:s5], s20  }
0x9e: {  	_ =	swait.ge [sflag:s22], s20  }
0x9f: {  	s4 =	ssub.s32 $0x0, s20;
	[sflag:s22] =	ssyncset.done $0x0  }
0xa0: {  	[sflag:s22] =	ssyncadd.s32 s4;
	_ =	sdelay $0x1  }
0xa1: {  	s23 =	simm.s32 $0x1B8B  }
0xa2: {  	_ =	swait.ge [sflag:s23], $0x1  }
0xa3: {  	[sflag:s23] =	ssyncset.done $0x0  }
0xa4: {  	s25 =	simm.s32 $0x1B8E;
	s24 =	sld [smem:$0x3FFE];
	[sflag:s23] =	ssyncadd.s32 $0xFFFFFFFF  }
0xa5: {  	s26 =	simm.s32 $execute0_lowered;
	[smem:$0x3FD2] =	sst s25  }
0xa6: {  	s5 =	sshll.u32 s26, $0x1;
	_ =	strace $0x80000046;
	[dreg:$0x1] =	wrdreg $0xFFFFFFFF  }
0xa7: {  	s28 =	simm.s32 $_size_execute0_lowered;
	s3 =	sadd.s32 s3, s5;
	[dreg:$0x0] =	wrdreg $0x0  }
0xa8: {  	s5 =	sshll.u32 s28, $0x1;
	[dreg:$0x2] =	wrdreg s3  }
0xa9: {  	[dreg:$0x3] =	wrdreg s5  }
0xaa: {  	[dreg:$0x4] =	wrdreg $0xC0  }
0xab: {  	_ =	task [dreg:s7], $0x5FFFF  }
0xac: {  	[dreg:$0x1] =	wrdreg $0xFFFFFFFF  }
0xad: {  	[dreg:$0x0] =	wrdreg $0x60  }
0xae: {  	[dreg:$0x2] =	wrdreg s2  }
0xaf: {  	[dreg:$0x3] =	wrdreg s24  }
0xb0: {  	[dreg:$0x4] =	wrdreg $0x9  }
0xb1: {  	_ =	task.clear_ibuf [dreg:s7], $0x5FFFF;
	_ =	strace $0x90000046  }
0xb2: {  	s29 =	simm.s32 $0x9;
	_ =	strace $0x80000048  }
0xb3: {  	_ =	swait.ge [sflag:s29], $0x1  }
0xb4: {  	[sflag:s29] =	ssyncadd.s32 $0xFFFFFFFF  }
0xb5: {  	_ =	strace $0x90000048  }
0xb6: {  	_ =	sfence  }
0xb7: {  	s30 =	sld [smem:$0x0];
	_ =	sdelay $0x2  }
0xb8: {  	s31 =	sshll.u32 s1, $0xD;
	s1 =	sshrl.u32 s1, $0x2  }
0xb9: {  	s3 =	sand.u32 $0x4000, s31;
	s1 =	sadd.s32 s1, s30  }
0xba: {  	s0 =	sor.u32 s3, s0;
	s1 =	sshll.u32 s1, $0x11  }
0xbb: {  	s0 =	sor.u32 s1, s0  }
0xbc: {  	s0 =	sadd.s32 $0x8F2B, s0  }
0xbd: {  	[sflag:s0] =	ssyncadd.remote.s32 $0x1  }
0xbe: {  	_ =	sfence.sel $0xFFFF  }
0xbf: {  	[dreg:$0x0] =	wrdreg $0xFFFFFFFF;
	(pc) =	sbr.abs _section_cstart, $3  }
0xc0: {  	[dreg:$0x1] =	wrdreg $0xFFFFFFFF  }
0xc1: {  	_ =	task.clear_ibuf [dreg:s7], $0x2FFFF;
	_ =	strace $0x9FFFFFFF  }
0xc2: {  	(tm) =	ssettm $0x7FFFFFFF  }
0xc3: {  	_ =	shalt  }
tec
execute0_lowered:
.L_overlay_start_1:
0x0: {  	(tag) =	ssettag $0x1  }
0x1: {  	s1 =	rddreg [dreg:$0x0];
	s2 =	srdreg.scid  }
0x2: {  	s7 =	rddreg [dreg:$0x1];
	s5 =	sand.u32 $0x1, s2;
	s2 =	simm.s32 $0x0  }
0x3: {  	s21 =	simm.s32 $0x8A00;
	[smem:$0x7FF] =	sst s2  }
0x4: {  	s22 =	simm.s32 $0x9200;
	_ =	strace $0x80000047;
	[dreg:$0x7] =	wrdreg s21  }
0x5: {  	s0 =	stileid.u32;
	s23 =	simm.s32 $0x9A00;
	[dreg:$0x8] =	wrdreg s22  }
0x6: {  	s24 =	simm.s32 $0xA200;
	s25 =	simm.s32 $0xAA00;
	[dreg:$0x9] =	wrdreg s23  }
0x7: {  	s26 =	simm.s32 $0xB200;
	s31 =	simm.s32 $0xBA00;
	[dreg:$0xa] =	wrdreg s24  }
0x8: {  	s9 =	simm.s32 $0xD200;
	s10 =	simm.s32 $0xDA00;
	[dreg:$0xb] =	wrdreg s25  }
0x9: {  	s11 =	simm.s32 $0xE200;
	s12 =	simm.s32 $0xEA00;
	[dreg:$0xc] =	wrdreg s26  }
0xa: {  	s18 =	sshll.u32 s0, $0x1;
	s0 =	simm.s32 $0xC200;
	[dreg:$0xd] =	wrdreg s31  }
0xb: {  	s13 =	simm.s32 $0xF200;
	s14 =	simm.s32 $0xFA00;
	[dreg:$0xe] =	wrdreg s0  }
0xc: {  	s15 =	simm.s32 $0x10A00;
	s16 =	simm.s32 $0x11200;
	[dreg:$0x10] =	wrdreg s9  }
0xd: {  	s17 =	simm.s32 $0x11A00;
	s28 =	simm.s32 $0x7200;
	[dreg:$0x11] =	wrdreg s10  }
0xe: {  	s29 =	simm.s32 $0x7A00;
	s30 =	simm.s32 $0x2;
	[dreg:$0x12] =	wrdreg s11  }
0xf: {  	s3 =	sor.u32 s5, s18;
	s5 =	ssub.s32 $0x2, s5;
	[dreg:$0x13] =	wrdreg s12  }
0x10: {  	s18 =	simm.s32 $0x12200;
	s4 =	sshll.u32 s3, $0x6;
	[dreg:$0x14] =	wrdreg s13  }
0x11: {  	s3 =	sshll.u32 s3, $0xE;
	s6 =	sshrl.u32 s5, $0x1;
	[dreg:$0x15] =	wrdreg s14  }
0x12: {  	s9 =	simm.s32 $0x3;
	s10 =	simm.s32 $0x200;
	[dreg:$0x16] =	wrdreg s15  }
0x13: {  	s11 =	simm.s32 $0x8200;
	s12 =	simm.s32 $0x10200;
	[dreg:$0x17] =	wrdreg s16  }
0x14: {  	s13 =	simm.s32 $0x1;
	s14 =	simm.s32 $0xA00;
	[dreg:$0x18] =	wrdreg s17  }
0x15: {  	s15 =	simm.s32 $0x1200;
	[dreg:$0x19] =	wrdreg s18;
	s16 =	simm.s32 $0x1A00  }
0x16: {  	s17 =	simm.s32 $0x2200;
	s21 =	simm.s32 $0x13A00;
	s18 =	simm.s32 $0x2A00  }
0x17: {  	s22 =	simm.s32 $0x14200;
	s23 =	simm.s32 $0x14A00;
	s24 =	simm.s32 $0x15200  }
0x18: {  	s25 =	simm.s32 $0x15A00;
	s26 =	simm.s32 $0x16200;
	[dreg:$0x1c] =	wrdreg s21  }
0x19: {  	s31 =	simm.s32 $0x16A00;
	s4 =	sadd.s32 s4, s7;
	[dreg:$0x1d] =	wrdreg s22  }
0x1a: {  	s3 =	sand.u32 $0x3C000, s3;
	s8 =	ssub.s32 s5, s6;
	[dreg:$0x1e] =	wrdreg s23  }
0x1b: {  	s6 =	simm.s32 $0xCA00;
	s5 =	sadd.s32 $0x1F00, s7;
	[dreg:$0x1f] =	wrdreg s24  }
0x1c: {  	s21 =	simm.s32 $0x4200;
	s22 =	simm.s32 $0x4A00;
	[smem:$0x7FB] =	sst s25  }
0x1d: {  	s23 =	simm.s32 $0x5200;
	[smem:$0x7FC] =	sst s26;
	s24 =	simm.s32 $0x5A00  }
0x1e: {  	[smem:$0x7FD] =	sst s31;
	s25 =	simm.s32 $0x6200;
	s26 =	simm.s32 $0x6A00  }
0x1f: {  	s4 =	sadd.s32 $0x1600, s4;
	s3 =	sadd.s32 s1, s3;
	[dreg:$0xf] =	wrdreg s6  }
0x20: {  	s6 =	sadd.s32 $0x2000, s7;
	[dreg:$0x3] =	wrdreg s4;
	s1 =	sadd.s32 $0x1000, s3  }
0x21: {  	s8 =	smax.u32 s8, $0x1;
	s19 =	sadd.s32 $0x2000, s3;
	[dreg:$0x4] =	wrdreg s1  }
0x22: {  	s20 =	sadd.s32 $0x3000, s3;
	s4 =	sadd.s32 $0x1E00, s7;
	[dreg:$0x5] =	wrdreg s19  }
0x23: {  	v2 =	vlaneseq.u32;
	s7 =	sadd.s32 $0x2100, s7;
	[dreg:$0x6] =	wrdreg s20;
	s19 =	simm.s32 $0x12A00  }
0x24: {  	vm0 =	vmmov $0xffff;
	v1 =	vshrl.u32 v2, $0x3;
	s20 =	simm.s32 $0x13200;
	s1 =	simm.s32 $0x17A00;
	[dreg:$0x1a] =	wrdreg s19  }
0x25: {  	v0 =	vand.u32 $0x7, v2;
	v2 =	vor.u32 $0x8, v2;
	v1 =	vmul.u32 $0x8, v1;
	[dreg:$0x1b] =	wrdreg s20;
	s19 =	simm.s32 $0x3200;
	s20 =	simm.s32 $0x3A00  }
.LBB2_1:
0x26: {  	s0 =	rddreg [dreg:$0x3]  }
0x27: {  	[tilespmem:s2], [sflag:$0x3] =	stream.linear.gather [hbm4b:s0+s2], $0x200, $0x38;
	[tilespmem:$0x18200] =	vst v63  }
0x28: {  	_ =	swait.ge [sflag:s9], $0x200  }
0x29: {  	[sflag:s9] =	ssyncset.done $0x0  }
0x2a: {  	[sflag:s9] =	ssyncadd.s32 $0xFFFFFE00  }
0x2b: {  	[tilespmem:s10], [sflag:$0x1] =	stream.linear.gather [hbm4b:s3+s2], $0x8000, $0x38;
	[tilespmem:$0x18200] =	vst v63  }
0x2c: {  	s0 =	rddreg [dreg:$0x4]  }
0x2d: {  	[tilespmem:s11], [sflag:$0x1] =	stream.linear.gather [hbm4b:s0+s2], $0x8000, $0x38;
	[tilespmem:$0x18200] =	vst v63  }
0x2e: {  	s31 =	rddreg [dreg:$0x5]  }
0x2f: {  	[tilespmem:s12], [sflag:$0x1] =	stream.linear.gather [hbm4b:s31+s2], $0x8000, $0x38;
	[tilespmem:$0x18200] =	vst v63  }
0x30: {  	_ =	swait.ge [sflag:s13], $0x8000  }
0x31: {  	[sflag:s13] =	ssyncset.done $0x0  }
0x32: {  	[sflag:s13] =	ssyncadd.s32 $0xFFFF8000  }
0x33: {  	v3 =	vld [tilespmem:$0x0];
	_ =	sdelay $0x4  }
0x34: {  	v4 =	vshll.u32 v3, $0x3  }
0x35: {  	v3 =	vand.u32 $0x7, v3;
	v4 =	vand.u32 $0xFFFFFFC0, v4  }
0x36: {  	v3 =	vor.u32 v3, v4  }
0x37: {  	v4 =	vperm.xlane v3, v0;
	_ =	sdelay $0x1  }
0x38: {  	v4 =	vadd.s32 v1, v4;
	_ =	sdelay $0x4  }
0x39: {  	[hbm4b:s4+s2] =	stream.indirect_vreg.scatter [tilespmem:s10], [sflag:$0x2], $0x80, v4, vm0, $0xb8;
	[tilespmem:$0x18200] =	vst v63  }
0x3a: {  	v3 =	vperm.xlane v3, v2  }
0x3b: {  	[hbm4b:s5+s2] =	stream.indirect_vreg.scatter [tilespmem:s14], [sflag:$0x2], $0x80, v4, vm0, $0xb8;
	[tilespmem:$0x18200] =	vst v63  }
0x3c: {  	v3 =	vadd.s32 v1, v3  }
0x3d: {  	[hbm4b:s6+s2] =	stream.indirect_vreg.scatter [tilespmem:s15], [sflag:$0x2], $0x80, v4, vm0, $0xb8;
	[tilespmem:$0x18200] =	vst v63  }
0x3e: {  	_ = 	snop  }
0x3f: {  	[hbm4b:s7+s2] =	stream.indirect_vreg.scatter [tilespmem:s16], [sflag:$0x2], $0x80, v4, vm0, $0xb8;
	[tilespmem:$0x18200] =	vst v63  }
0x40: {  	_ = 	snop  }
0x41: {  	[hbm4b:s4+s2] =	stream.indirect_vreg.scatter [tilespmem:s17], [sflag:$0x2], $0x80, v3, vm0, $0xb8;
	[tilespmem:$0x18200] =	vst v63  }
0x42: {  	_ = 	snop  }
0x43: {  	[hbm4b:s5+s2] =	stream.indirect_vreg.scatter [tilespmem:s18], [sflag:$0x2], $0x80, v3, vm0, $0xb8;
	[tilespmem:$0x18200] =	vst v63  }
0x44: {  	_ = 	snop  }
0x45: {  	[hbm4b:s6+s2] =	stream.indirect_vreg.scatter [tilespmem:s19], [sflag:$0x2], $0x80, v3, vm0, $0xb8;
	[tilespmem:$0x18200] =	vst v63  }
0x46: {  	_ = 	snop  }
0x47: {  	[hbm4b:s7+s2] =	stream.indirect_vreg.scatter [tilespmem:s20], [sflag:$0x2], $0x80, v3, vm0, $0xb8;
	[tilespmem:$0x18200] =	vst v63  }
0x48: {  	v3 =	vld [tilespmem:$0x10];
	_ =	sdelay $0x4  }
0x49: {  	v57 =	vshll.u32 v3, $0x3  }
0x4a: {  	v3 =	vand.u32 $0x7, v3;
	v4 =	vand.u32 $0xFFFFFFC0, v57  }
0x4b: {  	v3 =	vor.u32 v3, v4  }
0x4c: {  	v4 =	vperm.xlane v3, v0;
	_ =	sdelay $0x1  }
0x4d: {  	v4 =	vadd.s32 v1, v4;
	_ =	sdelay $0x4  }
0x4e: {  	[hbm4b:s4+s2] =	stream.indirect_vreg.scatter [tilespmem:s21], [sflag:$0x2], $0x80, v4, vm0, $0xb8;
	[tilespmem:$0x18200] =	vst v63  }
0x4f: {  	v3 =	vperm.xlane v3, v2  }
0x50: {  	[hbm4b:s5+s2] =	stream.indirect_vreg.scatter [tilespmem:s22], [sflag:$0x2], $0x80, v4, vm0, $0xb8;
	[tilespmem:$0x18200] =	vst v63  }
0x51: {  	v3 =	vadd.s32 v1, v3  }
0x52: {  	[hbm4b:s6+s2] =	stream.indirect_vreg.scatter [tilespmem:s23], [sflag:$0x2], $0x80, v4, vm0, $0xb8;
	[tilespmem:$0x18200] =	vst v63  }
0x53: {  	_ = 	snop  }
0x54: {  	[hbm4b:s7+s2] =	stream.indirect_vreg.scatter [tilespmem:s24], [sflag:$0x2], $0x80, v4, vm0, $0xb8;
	[tilespmem:$0x18200] =	vst v63  }
0x55: {  	_ = 	snop  }
0x56: {  	[hbm4b:s4+s2] =	stream.indirect_vreg.scatter [tilespmem:s25], [sflag:$0x2], $0x80, v3, vm0, $0xb8;
	[tilespmem:$0x18200] =	vst v63  }
0x57: {  	_ = 	snop  }
0x58: {  	[hbm4b:s5+s2] =	stream.indirect_vreg.scatter [tilespmem:s26], [sflag:$0x2], $0x80, v3, vm0, $0xb8;
	[tilespmem:$0x18200] =	vst v63  }
0x59: {  	_ = 	snop  }
0x5a: {  	[hbm4b:s6+s2] =	stream.indirect_vreg.scatter [tilespmem:s28], [sflag:$0x2], $0x80, v3, vm0, $0xb8;
	[tilespmem:$0x18200] =	vst v63  }
0x5b: {  	_ = 	snop  }
0x5c: {  	[hbm4b:s7+s2] =	stream.indirect_vreg.scatter [tilespmem:s29], [sflag:$0x2], $0x80, v3, vm0, $0xb8;
	[tilespmem:$0x18200] =	vst v63  }
0x5d: {  	_ =	swait.ge [sflag:s30], $0x8000  }
0x5e: {  	[sflag:s30] =	ssyncset.done $0x0  }
0x5f: {  	s31 =	rddreg [dreg:$0x6];
	[sflag:s30] =	ssyncadd.s32 $0xFFFF8000  }
0x60: {  	[tilespmem:s10], [sflag:$0x1] =	stream.linear.gather [hbm4b:s31+s2], $0x8000, $0x38;
	[tilespmem:$0x18200] =	vst v63  }
0x61: {  	_ =	swait.ge [sflag:s13], $0x8000  }
0x62: {  	[sflag:s13] =	ssyncset.done $0x0  }
0x63: {  	[sflag:s13] =	ssyncadd.s32 $0xFFFF8000  }
0x64: {  	v3 =	vld [tilespmem:$0x80];
	_ =	sdelay $0x4  }
0x65: {  	v58 =	vshll.u32 v3, $0x3  }
0x66: {  	v3 =	vand.u32 $0x7, v3;
	v4 =	vand.u32 $0xFFFFFFC0, v58  }
0x67: {  	v3 =	vor.u32 v3, v4  }
0x68: {  	v4 =	vperm.xlane v3, v0;
	_ =	sdelay $0x1  }
0x69: {  	v4 =	vadd.s32 v1, v4;
	_ =	sdelay $0x4  }
0x6a: {  	[hbm4b:s4+s2] =	stream.indirect_vreg.scatter [tilespmem:s11], [sflag:$0x2], $0x80, v4, vm0, $0xb8;
	[tilespmem:$0x18200] =	vst v63  }
0x6b: {  	s0 =	rddreg [dreg:$0x7];
	v3 =	vperm.xlane v3, v2  }
0x6c: {  	[hbm4b:s5+s2] =	stream.indirect_vreg.scatter [tilespmem:s0], [sflag:$0x2], $0x80, v4, vm0, $0xb8;
	[tilespmem:$0x18200] =	vst v63  }
0x6d: {  	s31 =	rddreg [dreg:$0x8];
	v3 =	vadd.s32 v1, v3  }
0x6e: {  	[hbm4b:s6+s2] =	stream.indirect_vreg.scatter [tilespmem:s31], [sflag:$0x2], $0x80, v4, vm0, $0xb8;
	[tilespmem:$0x18200] =	vst v63  }
0x6f: {  	s0 =	rddreg [dreg:$0x9]  }
0x70: {  	[hbm4b:s7+s2] =	stream.indirect_vreg.scatter [tilespmem:s0], [sflag:$0x2], $0x80, v4, vm0, $0xb8;
	[tilespmem:$0x18200] =	vst v63  }
0x71: {  	s31 =	rddreg [dreg:$0xa]  }
0x72: {  	[hbm4b:s4+s2] =	stream.indirect_vreg.scatter [tilespmem:s31], [sflag:$0x2], $0x80, v3, vm0, $0xb8;
	[tilespmem:$0x18200] =	vst v63  }
0x73: {  	s0 =	rddreg [dreg:$0xb]  }
0x74: {  	[hbm4b:s5+s2] =	stream.indirect_vreg.scatter [tilespmem:s0], [sflag:$0x2], $0x80, v3, vm0, $0xb8;
	[tilespmem:$0x18200] =	vst v63  }
0x75: {  	s31 =	rddreg [dreg:$0xc]  }
0x76: {  	[hbm4b:s6+s2] =	stream.indirect_vreg.scatter [tilespmem:s31], [sflag:$0x2], $0x80, v3, vm0, $0xb8;
	[tilespmem:$0x18200] =	vst v63  }
0x77: {  	s0 =	rddreg [dreg:$0xd]  }
0x78: {  	[hbm4b:s7+s2] =	stream.indirect_vreg.scatter [tilespmem:s0], [sflag:$0x2], $0x80, v3, vm0, $0xb8;
	[tilespmem:$0x18200] =	vst v63  }
0x79: {  	v3 =	vld [tilespmem:$0x90];
	_ =	sdelay $0x4  }
0x7a: {  	v59 =	vshll.u32 v3, $0x3  }
0x7b: {  	v3 =	vand.u32 $0x7, v3;
	v4 =	vand.u32 $0xFFFFFFC0, v59  }
0x7c: {  	v3 =	vor.u32 v3, v4  }
0x7d: {  	v4 =	vperm.xlane v3, v0;
	_ =	sdelay $0x1  }
0x7e: {  	v4 =	vadd.s32 v1, v4;
	_ =	sdelay $0x3  }
0x7f: {  	s0 =	rddreg [dreg:$0xe]  }
0x80: {  	[hbm4b:s4+s2] =	stream.indirect_vreg.scatter [tilespmem:s0], [sflag:$0x2], $0x80, v4, vm0, $0xb8;
	[tilespmem:$0x18200] =	vst v63  }
0x81: {  	s31 =	rddreg [dreg:$0xf];
	v3 =	vperm.xlane v3, v2  }
0x82: {  	[hbm4b:s5+s2] =	stream.indirect_vreg.scatter [tilespmem:s31], [sflag:$0x2], $0x80, v4, vm0, $0xb8;
	[tilespmem:$0x18200] =	vst v63  }
0x83: {  	v3 =	vadd.s32 v1, v3;
	s0 =	rddreg [dreg:$0x10]  }
0x84: {  	[hbm4b:s6+s2] =	stream.indirect_vreg.scatter [tilespmem:s0], [sflag:$0x2], $0x80, v4, vm0, $0xb8;
	[tilespmem:$0x18200] =	vst v63  }
0x85: {  	s31 =	rddreg [dreg:$0x11]  }
0x86: {  	[hbm4b:s7+s2] =	stream.indirect_vreg.scatter [tilespmem:s31], [sflag:$0x2], $0x80, v4, vm0, $0xb8;
	[tilespmem:$0x18200] =	vst v63  }
0x87: {  	s0 =	rddreg [dreg:$0x12]  }
0x88: {  	[hbm4b:s4+s2] =	stream.indirect_vreg.scatter [tilespmem:s0], [sflag:$0x2], $0x80, v3, vm0, $0xb8;
	[tilespmem:$0x18200] =	vst v63  }
0x89: {  	s31 =	rddreg [dreg:$0x13]  }
0x8a: {  	[hbm4b:s5+s2] =	stream.indirect_vreg.scatter [tilespmem:s31], [sflag:$0x2], $0x80, v3, vm0, $0xb8;
	[tilespmem:$0x18200] =	vst v63  }
0x8b: {  	s0 =	rddreg [dreg:$0x14]  }
0x8c: {  	[hbm4b:s6+s2] =	stream.indirect_vreg.scatter [tilespmem:s0], [sflag:$0x2], $0x80, v3, vm0, $0xb8;
	[tilespmem:$0x18200] =	vst v63  }
0x8d: {  	s31 =	rddreg [dreg:$0x15]  }
0x8e: {  	[hbm4b:s7+s2] =	stream.indirect_vreg.scatter [tilespmem:s31], [sflag:$0x2], $0x80, v3, vm0, $0xb8;
	[tilespmem:$0x18200] =	vst v63  }
0x8f: {  	_ =	swait.ge [sflag:s13], $0x8000  }
0x90: {  	[sflag:s13] =	ssyncset.done $0x0  }
0x91: {  	[sflag:s13] =	ssyncadd.s32 $0xFFFF8000  }
0x92: {  	v3 =	vld [tilespmem:$0x100];
	_ =	sdelay $0x4  }
0x93: {  	v60 =	vshll.u32 v3, $0x3  }
0x94: {  	v3 =	vand.u32 $0x7, v3;
	v4 =	vand.u32 $0xFFFFFFC0, v60  }
0x95: {  	v3 =	vor.u32 v3, v4  }
0x96: {  	v4 =	vperm.xlane v3, v0;
	_ =	sdelay $0x1  }
0x97: {  	v4 =	vadd.s32 v1, v4;
	_ =	sdelay $0x4  }
0x98: {  	[hbm4b:s4+s2] =	stream.indirect_vreg.scatter [tilespmem:s12], [sflag:$0x2], $0x80, v4, vm0, $0xb8;
	[tilespmem:$0x18200] =	vst v63  }
0x99: {  	s0 =	rddreg [dreg:$0x16];
	v3 =	vperm.xlane v3, v2  }
0x9a: {  	[hbm4b:s5+s2] =	stream.indirect_vreg.scatter [tilespmem:s0], [sflag:$0x2], $0x80, v4, vm0, $0xb8;
	[tilespmem:$0x18200] =	vst v63  }
0x9b: {  	s31 =	rddreg [dreg:$0x17];
	v3 =	vadd.s32 v1, v3  }
0x9c: {  	[hbm4b:s6+s2] =	stream.indirect_vreg.scatter [tilespmem:s31], [sflag:$0x2], $0x80, v4, vm0, $0xb8;
	[tilespmem:$0x18200] =	vst v63  }
0x9d: {  	s0 =	rddreg [dreg:$0x18]  }
0x9e: {  	[hbm4b:s7+s2] =	stream.indirect_vreg.scatter [tilespmem:s0], [sflag:$0x2], $0x80, v4, vm0, $0xb8;
	[tilespmem:$0x18200] =	vst v63  }
0x9f: {  	s31 =	rddreg [dreg:$0x19]  }
0xa0: {  	[hbm4b:s4+s2] =	stream.indirect_vreg.scatter [tilespmem:s31], [sflag:$0x2], $0x80, v3, vm0, $0xb8;
	[tilespmem:$0x18200] =	vst v63  }
0xa1: {  	s0 =	rddreg [dreg:$0x1a]  }
0xa2: {  	[hbm4b:s5+s2] =	stream.indirect_vreg.scatter [tilespmem:s0], [sflag:$0x2], $0x80, v3, vm0, $0xb8;
	[tilespmem:$0x18200] =	vst v63  }
0xa3: {  	s31 =	rddreg [dreg:$0x1b]  }
0xa4: {  	[hbm4b:s6+s2] =	stream.indirect_vreg.scatter [tilespmem:s31], [sflag:$0x2], $0x80, v3, vm0, $0xb8;
	[tilespmem:$0x18200] =	vst v63  }
0xa5: {  	s0 =	rddreg [dreg:$0x1c]  }
0xa6: {  	[hbm4b:s7+s2] =	stream.indirect_vreg.scatter [tilespmem:s0], [sflag:$0x2], $0x80, v3, vm0, $0xb8;
	[tilespmem:$0x18200] =	vst v63  }
0xa7: {  	v3 =	vld [tilespmem:$0x110];
	_ =	sdelay $0x4  }
0xa8: {  	v61 =	vshll.u32 v3, $0x3  }
0xa9: {  	v3 =	vand.u32 $0x7, v3;
	v4 =	vand.u32 $0xFFFFFFC0, v61  }
0xaa: {  	v3 =	vor.u32 v3, v4  }
0xab: {  	v4 =	vperm.xlane v3, v0;
	_ =	sdelay $0x1  }
0xac: {  	v4 =	vadd.s32 v1, v4;
	_ =	sdelay $0x2  }
0xad: {  	s31 =	rddreg [dreg:$0x1e]  }
0xae: {  	s0 =	rddreg [dreg:$0x1d]  }
0xaf: {  	[hbm4b:s4+s2] =	stream.indirect_vreg.scatter [tilespmem:s0], [sflag:$0x2], $0x80, v4, vm0, $0xb8;
	[tilespmem:$0x18200] =	vst v63  }
0xb0: {  	v3 =	vperm.xlane v3, v2;
	s0 =	rddreg [dreg:$0x1f]  }
0xb1: {  	[hbm4b:s5+s2] =	stream.indirect_vreg.scatter [tilespmem:s31], [sflag:$0x2], $0x80, v4, vm0, $0xb8;
	[tilespmem:$0x18200] =	vst v63  }
0xb2: {  	v3 =	vadd.s32 v1, v3;
	s31 =	sld [smem:$0x7FB]  }
0xb3: {  	[hbm4b:s6+s2] =	stream.indirect_vreg.scatter [tilespmem:s0], [sflag:$0x2], $0x80, v4, vm0, $0xb8;
	[tilespmem:$0x18200] =	vst v63  }
0xb4: {  	s0 =	sld [smem:$0x7FC]  }
0xb5: {  	[hbm4b:s7+s2] =	stream.indirect_vreg.scatter [tilespmem:s31], [sflag:$0x2], $0x80, v4, vm0, $0xb8;
	[tilespmem:$0x18200] =	vst v63  }
0xb6: {  	s31 =	sld [smem:$0x7FD]  }
0xb7: {  	[hbm4b:s4+s2] =	stream.indirect_vreg.scatter [tilespmem:s0], [sflag:$0x2], $0x80, v3, vm0, $0xb8;
	[tilespmem:$0x18200] =	vst v63  }
0xb8: {  	_ = 	snop  }
0xb9: {  	[hbm4b:s5+s2] =	stream.indirect_vreg.scatter [tilespmem:s31], [sflag:$0x2], $0x80, v3, vm0, $0xb8;
	[tilespmem:$0x18200] =	vst v63  }
0xba: {  	s31 =	simm.s32 $0x17200  }
0xbb: {  	[hbm4b:s6+s2] =	stream.indirect_vreg.scatter [tilespmem:s31], [sflag:$0x2], $0x80, v3, vm0, $0xb8;
	[tilespmem:$0x18200] =	vst v63  }
0xbc: {  	_ = 	snop  }
0xbd: {  	[hbm4b:s7+s2] =	stream.indirect_vreg.scatter [tilespmem:s1], [sflag:$0x2], $0x80, v3, vm0, $0xb8;
	[tilespmem:$0x18200] =	vst v63  }
0xbe: {  	_ =	swait.ge [sflag:s13], $0x8000  }
0xbf: {  	[sflag:s13] =	ssyncset.done $0x0  }
0xc0: {  	[sflag:s13] =	ssyncadd.s32 $0xFFFF8000  }
0xc1: {  	v3 =	vld [tilespmem:$0x180];
	_ =	sdelay $0x4  }
0xc2: {  	v62 =	vshll.u32 v3, $0x3  }
0xc3: {  	v3 =	vand.u32 $0x7, v3;
	v4 =	vand.u32 $0xFFFFFFC0, v62  }
0xc4: {  	v3 =	vor.u32 v3, v4  }
0xc5: {  	v4 =	vperm.xlane v3, v0;
	_ =	sdelay $0x1  }
0xc6: {  	v4 =	vadd.s32 v1, v4;
	_ =	sdelay $0x4  }
0xc7: {  	[hbm4b:s4+s2] =	stream.indirect_vreg.scatter [tilespmem:s10], [sflag:$0x2], $0x80, v4, vm0, $0xb8;
	[tilespmem:$0x18200] =	vst v63  }
0xc8: {  	v3 =	vperm.xlane v3, v2  }
0xc9: {  	[hbm4b:s5+s2] =	stream.indirect_vreg.scatter [tilespmem:s14], [sflag:$0x2], $0x80, v4, vm0, $0xb8;
	[tilespmem:$0x18200] =	vst v63  }
0xca: {  	v3 =	vadd.s32 v1, v3  }
0xcb: {  	[hbm4b:s6+s2] =	stream.indirect_vreg.scatter [tilespmem:s15], [sflag:$0x2], $0x80, v4, vm0, $0xb8;
	[tilespmem:$0x18200] =	vst v63  }
0xcc: {  	_ = 	snop  }
0xcd: {  	[hbm4b:s7+s2] =	stream.indirect_vreg.scatter [tilespmem:s16], [sflag:$0x2], $0x80, v4, vm0, $0xb8;
	[tilespmem:$0x18200] =	vst v63  }
0xce: {  	_ = 	snop  }
0xcf: {  	[hbm4b:s4+s2] =	stream.indirect_vreg.scatter [tilespmem:s17], [sflag:$0x2], $0x80, v3, vm0, $0xb8;
	[tilespmem:$0x18200] =	vst v63  }
0xd0: {  	_ = 	snop  }
0xd1: {  	[hbm4b:s5+s2] =	stream.indirect_vreg.scatter [tilespmem:s18], [sflag:$0x2], $0x80, v3, vm0, $0xb8;
	[tilespmem:$0x18200] =	vst v63  }
0xd2: {  	_ = 	snop  }
0xd3: {  	[hbm4b:s6+s2] =	stream.indirect_vreg.scatter [tilespmem:s19], [sflag:$0x2], $0x80, v3, vm0, $0xb8;
	[tilespmem:$0x18200] =	vst v63  }
0xd4: {  	_ = 	snop  }
0xd5: {  	[hbm4b:s7+s2] =	stream.indirect_vreg.scatter [tilespmem:s20], [sflag:$0x2], $0x80, v3, vm0, $0xb8;
	[tilespmem:$0x18200] =	vst v63  }
0xd6: {  	v3 =	vld [tilespmem:$0x190];
	_ =	sdelay $0x4  }
0xd7: {  	v63 =	vshll.u32 v3, $0x3  }
0xd8: {  	v3 =	vand.u32 $0x7, v3;
	v4 =	vand.u32 $0xFFFFFFC0, v63  }
0xd9: {  	v3 =	vor.u32 v3, v4  }
0xda: {  	v4 =	vperm.xlane v3, v0;
	_ =	sdelay $0x1  }
0xdb: {  	v4 =	vadd.s32 v1, v4;
	_ =	sdelay $0x4  }
0xdc: {  	[hbm4b:s4+s2] =	stream.indirect_vreg.scatter [tilespmem:s21], [sflag:$0x2], $0x80, v4, vm0, $0xb8;
	[tilespmem:$0x18200] =	vst v63  }
0xdd: {  	v3 =	vperm.xlane v3, v2  }
0xde: {  	[hbm4b:s5+s2] =	stream.indirect_vreg.scatter [tilespmem:s22], [sflag:$0x2], $0x80, v4, vm0, $0xb8;
	[tilespmem:$0x18200] =	vst v63  }
0xdf: {  	v3 =	vadd.s32 v1, v3  }
0xe0: {  	[hbm4b:s6+s2] =	stream.indirect_vreg.scatter [tilespmem:s23], [sflag:$0x2], $0x80, v4, vm0, $0xb8;
	[tilespmem:$0x18200] =	vst v63  }
0xe1: {  	_ = 	snop  }
0xe2: {  	[hbm4b:s7+s2] =	stream.indirect_vreg.scatter [tilespmem:s24], [sflag:$0x2], $0x80, v4, vm0, $0xb8;
	[tilespmem:$0x18200] =	vst v63  }
0xe3: {  	_ = 	snop  }
0xe4: {  	[hbm4b:s4+s2] =	stream.indirect_vreg.scatter [tilespmem:s25], [sflag:$0x2], $0x80, v3, vm0, $0xb8;
	[tilespmem:$0x18200] =	vst v63  }
0xe5: {  	_ = 	snop  }
0xe6: {  	[hbm4b:s5+s2] =	stream.indirect_vreg.scatter [tilespmem:s26], [sflag:$0x2], $0x80, v3, vm0, $0xb8;
	[tilespmem:$0x18200] =	vst v63  }
0xe7: {  	_ = 	snop  }
0xe8: {  	[hbm4b:s6+s2] =	stream.indirect_vreg.scatter [tilespmem:s28], [sflag:$0x2], $0x80, v3, vm0, $0xb8;
	[tilespmem:$0x18200] =	vst v63  }
0xe9: {  	_ = 	snop  }
0xea: {  	[hbm4b:s7+s2] =	stream.indirect_vreg.scatter [tilespmem:s29], [sflag:$0x2], $0x80, v3, vm0, $0xb8;
	[tilespmem:$0x18200] =	vst v63  }
0xeb: {  	_ =	swait.ge [sflag:s30], $0x8000  }
0xec: {  	[sflag:s30] =	ssyncset.done $0x0  }
0xed: {  	[sflag:s30] =	ssyncadd.s32 $0xFFFF8000  }
0xee: {  	p0 =	sne.s32 s8, $0x1;
	_ =	swait.ge [sflag:s30], $0x8000  }
.Ltmp0:
0xef: {  	[sflag:s30] =	ssyncset.done $0x0;
	(pc) =	sbr.rel @p0 .LBB2_1-.Ltmp0, $4  }
0xf0: {  	[sflag:s30] =	ssyncadd.s32 $0xFFFF8000  }
0xf1: {  	_ =	swait.ge [sflag:s30], $0x8000  }
0xf2: {  	[sflag:s30] =	ssyncset.done $0x0  }
0xf3: {  	s8 =	sadd.s32 $0xFFFFFFFF, s8;
	[sflag:s30] =	ssyncadd.s32 $0xFFFF8000  }
0xf4: {  	_ =	sfence.sel $0x180000  }
0xf5: {  	[bflag:$0x0] =	sbarrier.arrive $0xFFFF  }
0xf6: {  	_ =	strace $0x90000047  }
0xf7: {  	s0 =	stileid.u32;
	[bflag:$0x2] =	sbarrier.arrive $0xFFFF  }
0xf8: {  	p0 =	sne.s32 s0, $0x0;
	s0 =	rddreg [dreg:$0x2]  }
0xf9: {  	s0 =	sadd.s32 @!p0 $0x100000, s0  }
0xfa: {  	[sflag:s0] =	ssyncadd.tile.s32 @!p0 $0x1;
	_ =	shalt  }
.Lfunc_end2:
_tile_overlayer_lowered:
.L_overlay_start_2:
0xfb: {  	(tag) =	ssettag $0x2  }
0xfc: {  	s0 =	rddreg [dreg:$0x0];
	s2 =	stileid.u32  }
0xfd: {  	s1 =	rddreg [dreg:$0x1];
	p0 =	sne.s32 s2, $0x0  }
0xfe: {  	s3 =	rddreg [dreg:$0x2];
	[bflag:$0x3] =	sbarrier.arrive $0xFFFF;
	s2 =	simm.s32 @!p0 $0x1C03  }
0xff: {  	[timem:s3], [sflag:s2] =	dma.local @!p0 [hbm:s0], s1  }
0x100: {  	s0 =	simm.s32 @!p0 $0x3  }
0x101: {  	_ =	swait.ge @!p0 [sflag:s0], s1  }
0x102: {  	s1 =	ssub.s32 @!p0 $0x0, s1;
	[sflag:s0] =	ssyncset.done @!p0 $0x0  }
0x103: {  	[sflag:s0] =	ssyncadd.s32 @!p0 s1  }
0x104: {  	[bflag:$0x3] =	sbarrier.arrive $0xFFFF  }
0x105: {  	_ =	shalt  }

</sc_bundles>
